<compile_context>
chip_gen: v7x
topology: tpu7x:2x2x1
jax: 0.10.2.dev20260603
libtpu: 0.0.44.dev20260713+nightly
codegen_flags: <defaults>
</compile_context>

<pallas_src>
import functools

import jax
import jax.numpy as jnp
from jax import lax
from jax.experimental import pallas as pl
from jax.experimental.pallas import tpu as pltpu
from jax.experimental.pallas import tpu_sc as plsc

_B, _M, _S, _D = 4, 16, 2048, 1024
_CS = 16
_CPR = _S // _CS
_NCHUNK = _M * _CPR
_NW = 32
_G = 2
_KEEP = _M - _B
_GA = _KEEP * _CPR // (_NW * _G)
_GB = _B * _CPR // (_NW * _G)

_mesh = plsc.VectorSubcoreMesh(core_axis_name="c", subcore_axis_name="s")


@functools.partial(
    pl.kernel,
    mesh=_mesh,
    out_type=jax.ShapeDtypeStruct((_NCHUNK, _CS, _D), jnp.float32),
    scratch_types=[
        pltpu.VMEM((_GA, _G), jnp.int32),
        pltpu.VMEM((_GB, _G), jnp.int32),
        pltpu.VMEM((_GB, _G), jnp.int32),
        pltpu.VMEM((_G, _CS, _D), jnp.float32),
        pltpu.VMEM((_G, _CS, _D), jnp.float32),
        pltpu.VMEM((_G, _CS, _D), jnp.float32),
        pltpu.SemaphoreType.DMA,
        pltpu.SemaphoreType.DMA,
        pltpu.SemaphoreType.DMA,
        pltpu.SemaphoreType.DMA,
        pltpu.SemaphoreType.DMA,
        pltpu.SemaphoreType.DMA,
    ],
)
def _sc_copy(inp_hbm, inps_hbm, idxa_hbm, idxbs_hbm, idxbd_hbm, out_hbm,
             idxa_v, idxbs_v, idxbd_v, buf0, buf1, buf2,
             g0, g1, g2, s0, s1, s2):
    wid = lax.axis_index("s") * 2 + lax.axis_index("c")
    pltpu.sync_copy(idxa_hbm.at[wid], idxa_v)
    pltpu.sync_copy(idxbs_hbm.at[wid], idxbs_v)
    pltpu.sync_copy(idxbd_hbm.at[wid], idxbd_v)
    bufs = (buf0, buf1, buf2)
    gsems = (g0, g1, g2)
    ssems = (s0, s1, s2)
    ns = 3
    depth = ns - 1

    def run_phase(n, gather_src, scatter_dst):
        hg = [None] * ns
        hs = [None] * ns
        for j in range(min(depth, n)):
            hg[j % ns] = pltpu.async_copy(gather_src(j), bufs[j % ns], gsems[j % ns])
        for j in range(n):
            sl = j % ns
            if j >= 1:
                hs[(j - 1) % ns].wait()
            if j + depth < n:
                psl = (j + depth) % ns
                hg[psl] = pltpu.async_copy(gather_src(j + depth), bufs[psl], gsems[psl])
            hg[sl].wait()
            hs[sl] = pltpu.async_copy(bufs[sl], scatter_dst(j), ssems[sl])
        hs[(n - 1) % ns].wait()

    run_phase(
        _GA,
        lambda j: inps_hbm.at[idxa_v.at[j]],
        lambda j: out_hbm.at[idxa_v.at[j]],
    )
    run_phase(
        _GB,
        lambda j: inp_hbm.at[idxbs_v.at[j]],
        lambda j: out_hbm.at[idxbd_v.at[j]],
    )


def kernel(inp, inps, start_idx):
    s = jnp.asarray(start_idx, jnp.int32)
    rows = jnp.arange(_M, dtype=jnp.int32)
    in_win = jnp.logical_and(rows >= s, rows < s + _B)
    keep = jnp.argsort(jnp.where(in_win, _M + rows, rows))[:_KEEP]
    col = jnp.arange(_CPR, dtype=jnp.int32)[None, :]
    idxa = (keep[:, None] * _CPR + col).reshape(_NW, _GA, _G).astype(jnp.int32)
    win_rows = s + jnp.arange(_B, dtype=jnp.int32)
    idxbd = (win_rows[:, None] * _CPR + col).reshape(_NW, _GB, _G).astype(jnp.int32)
    idxbs = jnp.arange(_B * _CPR, dtype=jnp.int32).reshape(_NW, _GB, _G)
    inp_v = inp.reshape(_B * _CPR, _CS, _D)
    inps_v = inps.reshape(_NCHUNK, _CS, _D)
    out = _sc_copy(inp_v, inps_v, idxa, idxbs, idxbd)
    return out.reshape(_M, _S, _D)

# --- scband reference (transcript-rebuilt; emitter-appended) ---
"""Pipeline reference for scband-catcher-15771119911389 (READ-ONLY COPY).

The authoritative reference and input builder live on the scoring server;
editing this copy changes nothing except your own understanding.
"""

import jax, jax.numpy as jnp
import numpy as np

B, S, D, M = 4, 2048, 1024, 16

def setup_inputs(seed: int = 0) -> dict:
    key = jax.random.key(seed)
    k1, _ = jax.random.split(key)
    inp = jax.random.normal(k1, (B, S, D), dtype=jnp.float32)
    inps = jnp.zeros((M, S, D), dtype=jnp.float32)
    start_idx = 3  # cache['i'] at time of call
    return {"inp": inp, "inps": inps, "start_idx": start_idx}

def reference(inp, inps, start_idx):
    # Catcher.forward: for i in range(inp.shape[0]): inps[cache['i']] = inp[i]; cache['i'] += 1
    # Vectorized as a scatter-overwrite of B consecutive rows starting at start_idx.
    b = inp.shape[0]
    idx = start_idx + jnp.arange(b)
    new_inps = inps.at[idx].set(inp)
    # cache['i'] would become start_idx + b; the original module then raises ValueError
    # to abort the outer forward pass. We return the updated activation buffer.
    return new_inps

if __name__ == "__main__":
    import jax
    _d = setup_inputs()
    print(jax.jit(kernel)(*tuple(_d.values())))

</pallas_src>

<mosaic_0001>
#map = affine_map<(d0, d1) -> (0, 0, 0)>
module attributes {stable_mosaic.version = 14 : i64} {
  func.func @_sc_copy(%arg0: i32, %arg1: i32, %arg2: memref<512x16x1024xf32, #tpu.memory_space<hbm>>, %arg3: memref<2048x16x1024xf32, #tpu.memory_space<hbm>>, %arg4: memref<32x24x2xi32, #tpu.memory_space<hbm>>, %arg5: memref<32x8x2xi32, #tpu.memory_space<hbm>>, %arg6: memref<32x8x2xi32, #tpu.memory_space<hbm>>, %arg7: memref<2048x16x1024xf32, #tpu.memory_space<hbm>>, %arg8: memref<24x2xi32, #tpu.memory_space<vmem>>, %arg9: memref<8x2xi32, #tpu.memory_space<vmem>>, %arg10: memref<8x2xi32, #tpu.memory_space<vmem>>, %arg11: memref<2x16x1024xf32, #tpu.memory_space<vmem>>, %arg12: memref<2x16x1024xf32, #tpu.memory_space<vmem>>, %arg13: memref<2x16x1024xf32, #tpu.memory_space<vmem>>, %arg14: memref<!tpu.dma_semaphore, #tpu.memory_space<semaphore_mem>>, %arg15: memref<!tpu.dma_semaphore, #tpu.memory_space<semaphore_mem>>, %arg16: memref<!tpu.dma_semaphore, #tpu.memory_space<semaphore_mem>>, %arg17: memref<!tpu.dma_semaphore, #tpu.memory_space<semaphore_mem>>, %arg18: memref<!tpu.dma_semaphore, #tpu.memory_space<semaphore_mem>>, %arg19: memref<!tpu.dma_semaphore, #tpu.memory_space<semaphore_mem>>) attributes {dimension_semantics = [#tpu.dimension_semantics<core_parallel>, #tpu.dimension_semantics<subcore_parallel>], iteration_bounds = array<i64: 2, 16>, scalar_prefetch = 0 : i64, scratch_operands = 12 : i64, tpu.core_type = #tpu.core_type<sc_vector_subcore>, window_params = [{transform_indices = #map}, {transform_indices = #map}, {transform_indices = #map}, {transform_indices = #map}, {transform_indices = #map}, {transform_indices = #map}]} {
    %mul3A = arith.constant 2 : i32
    %mul3A_0 = arith.muli %arg1, %mul3A : i32
    %add3A = arith.addi %mul3A_0, %arg0 : i32
    "tpu.region"() ({
      %run_scoped3A = tpu.sem_alloc : memref<!tpu.dma_semaphore, #tpu.memory_space<semaphore_mem>>
      %dma_start3A_1023 = arith.constant 0 : i32
      %dma_start3A_1024 = arith.constant 0 : i32
      %dma_start3A_1025 = tpu.memref_slice %arg4[%add3A, %dma_start3A_1023, %dma_start3A_1024] : memref<32x24x2xi32, #tpu.memory_space<hbm>> -> memref<1x24x2xi32, #tpu.memory_space<hbm>>
      %dma_start3A_1026 = tpu.memref_squeeze %dma_start3A_1025 : memref<1x24x2xi32, #tpu.memory_space<hbm>> -> memref<24x2xi32, #tpu.memory_space<hbm>>
      %dma_start3A_1027 = arith.constant 0 : i32
      %dma_start3A_1028 = arith.constant 0 : i32
      %dma_start3A_1029 = tpu.memref_slice %arg4[%add3A, %dma_start3A_1027, %dma_start3A_1028] : memref<32x24x2xi32, #tpu.memory_space<hbm>> -> memref<1x24x2xi32, #tpu.memory_space<hbm>>
      %dma_start3A_1030 = tpu.memref_squeeze %dma_start3A_1029 : memref<1x24x2xi32, #tpu.memory_space<hbm>> -> memref<24x2xi32, #tpu.memory_space<hbm>>
      tpu.enqueue_dma source(%dma_start3A_1030 : memref<24x2xi32, #tpu.memory_space<hbm>>) target(%arg8 : memref<24x2xi32, #tpu.memory_space<vmem>>) target_semaphore(%run_scoped3A : memref<!tpu.dma_semaphore, #tpu.memory_space<semaphore_mem>>)
      %dma_wait3A_1031 = arith.constant 0 : i32
      %dma_wait3A_1032 = arith.constant 0 : i32
      %dma_wait3A_1033 = tpu.memref_slice %arg4[%add3A, %dma_wait3A_1031, %dma_wait3A_1032] : memref<32x24x2xi32, #tpu.memory_space<hbm>> -> memref<1x24x2xi32, #tpu.memory_space<hbm>>
      %dma_wait3A_1034 = tpu.memref_squeeze %dma_wait3A_1033 : memref<1x24x2xi32, #tpu.memory_space<hbm>> -> memref<24x2xi32, #tpu.memory_space<hbm>>
      %dma_wait3A_1035 = arith.constant 0 : i32
      %dma_wait3A_1036 = arith.constant 0 : i32
      %dma_wait3A_1037 = tpu.memref_slice %arg4[%add3A, %dma_wait3A_1035, %dma_wait3A_1036] : memref<32x24x2xi32, #tpu.memory_space<hbm>> -> memref<1x24x2xi32, #tpu.memory_space<hbm>>
      %dma_wait3A_1038 = tpu.memref_squeeze %dma_wait3A_1037 : memref<1x24x2xi32, #tpu.memory_space<hbm>> -> memref<24x2xi32, #tpu.memory_space<hbm>>
      tpu.wait_dma2 semaphore(%run_scoped3A : memref<!tpu.dma_semaphore, #tpu.memory_space<semaphore_mem>>) src(%dma_wait3A_1038 : memref<24x2xi32, #tpu.memory_space<hbm>>) dst(%arg8 : memref<24x2xi32, #tpu.memory_space<vmem>>)
      tpu.yield
    }) : () -> ()
    "tpu.region"() ({
      %run_scoped3A = tpu.sem_alloc : memref<!tpu.dma_semaphore, #tpu.memory_space<semaphore_mem>>
      %dma_start3A_1023 = arith.constant 0 : i32
      %dma_start3A_1024 = arith.constant 0 : i32
      %dma_start3A_1025 = tpu.memref_slice %arg5[%add3A, %dma_start3A_1023, %dma_start3A_1024] : memref<32x8x2xi32, #tpu.memory_space<hbm>> -> memref<1x8x2xi32, #tpu.memory_space<hbm>>
      %dma_start3A_1026 = tpu.memref_squeeze %dma_start3A_1025 : memref<1x8x2xi32, #tpu.memory_space<hbm>> -> memref<8x2xi32, #tpu.memory_space<hbm>>
      %dma_start3A_1027 = arith.constant 0 : i32
      %dma_start3A_1028 = arith.constant 0 : i32
      %dma_start3A_1029 = tpu.memref_slice %arg5[%add3A, %dma_start3A_1027, %dma_start3A_1028] : memref<32x8x2xi32, #tpu.memory_space<hbm>> -> memref<1x8x2xi32, #tpu.memory_space<hbm>>
      %dma_start3A_1030 = tpu.memref_squeeze %dma_start3A_1029 : memref<1x8x2xi32, #tpu.memory_space<hbm>> -> memref<8x2xi32, #tpu.memory_space<hbm>>
      tpu.enqueue_dma source(%dma_start3A_1030 : memref<8x2xi32, #tpu.memory_space<hbm>>) target(%arg9 : memref<8x2xi32, #tpu.memory_space<vmem>>) target_semaphore(%run_scoped3A : memref<!tpu.dma_semaphore, #tpu.memory_space<semaphore_mem>>)
      %dma_wait3A_1031 = arith.constant 0 : i32
      %dma_wait3A_1032 = arith.constant 0 : i32
      %dma_wait3A_1033 = tpu.memref_slice %arg5[%add3A, %dma_wait3A_1031, %dma_wait3A_1032] : memref<32x8x2xi32, #tpu.memory_space<hbm>> -> memref<1x8x2xi32, #tpu.memory_space<hbm>>
      %dma_wait3A_1034 = tpu.memref_squeeze %dma_wait3A_1033 : memref<1x8x2xi32, #tpu.memory_space<hbm>> -> memref<8x2xi32, #tpu.memory_space<hbm>>
      %dma_wait3A_1035 = arith.constant 0 : i32
      %dma_wait3A_1036 = arith.constant 0 : i32
      %dma_wait3A_1037 = tpu.memref_slice %arg5[%add3A, %dma_wait3A_1035, %dma_wait3A_1036] : memref<32x8x2xi32, #tpu.memory_space<hbm>> -> memref<1x8x2xi32, #tpu.memory_space<hbm>>
      %dma_wait3A_1038 = tpu.memref_squeeze %dma_wait3A_1037 : memref<1x8x2xi32, #tpu.memory_space<hbm>> -> memref<8x2xi32, #tpu.memory_space<hbm>>
      tpu.wait_dma2 semaphore(%run_scoped3A : memref<!tpu.dma_semaphore, #tpu.memory_space<semaphore_mem>>) src(%dma_wait3A_1038 : memref<8x2xi32, #tpu.memory_space<hbm>>) dst(%arg9 : memref<8x2xi32, #tpu.memory_space<vmem>>)
      tpu.yield
    }) : () -> ()
    "tpu.region"() ({
      %run_scoped3A = tpu.sem_alloc : memref<!tpu.dma_semaphore, #tpu.memory_space<semaphore_mem>>
      %dma_start3A_1023 = arith.constant 0 : i32
      %dma_start3A_1024 = arith.constant 0 : i32
      %dma_start3A_1025 = tpu.memref_slice %arg6[%add3A, %dma_start3A_1023, %dma_start3A_1024] : memref<32x8x2xi32, #tpu.memory_space<hbm>> -> memref<1x8x2xi32, #tpu.memory_space<hbm>>
      %dma_start3A_1026 = tpu.memref_squeeze %dma_start3A_1025 : memref<1x8x2xi32, #tpu.memory_space<hbm>> -> memref<8x2xi32, #tpu.memory_space<hbm>>
      %dma_start3A_1027 = arith.constant 0 : i32
      %dma_start3A_1028 = arith.constant 0 : i32
      %dma_start3A_1029 = tpu.memref_slice %arg6[%add3A, %dma_start3A_1027, %dma_start3A_1028] : memref<32x8x2xi32, #tpu.memory_space<hbm>> -> memref<1x8x2xi32, #tpu.memory_space<hbm>>
      %dma_start3A_1030 = tpu.memref_squeeze %dma_start3A_1029 : memref<1x8x2xi32, #tpu.memory_space<hbm>> -> memref<8x2xi32, #tpu.memory_space<hbm>>
      tpu.enqueue_dma source(%dma_start3A_1030 : memref<8x2xi32, #tpu.memory_space<hbm>>) target(%arg10 : memref<8x2xi32, #tpu.memory_space<vmem>>) target_semaphore(%run_scoped3A : memref<!tpu.dma_semaphore, #tpu.memory_space<semaphore_mem>>)
      %dma_wait3A_1031 = arith.constant 0 : i32
      %dma_wait3A_1032 = arith.constant 0 : i32
      %dma_wait3A_1033 = tpu.memref_slice %arg6[%add3A, %dma_wait3A_1031, %dma_wait3A_1032] : memref<32x8x2xi32, #tpu.memory_space<hbm>> -> memref<1x8x2xi32, #tpu.memory_space<hbm>>
      %dma_wait3A_1034 = tpu.memref_squeeze %dma_wait3A_1033 : memref<1x8x2xi32, #tpu.memory_space<hbm>> -> memref<8x2xi32, #tpu.memory_space<hbm>>
      %dma_wait3A_1035 = arith.constant 0 : i32
      %dma_wait3A_1036 = arith.constant 0 : i32
      %dma_wait3A_1037 = tpu.memref_slice %arg6[%add3A, %dma_wait3A_1035, %dma_wait3A_1036] : memref<32x8x2xi32, #tpu.memory_space<hbm>> -> memref<1x8x2xi32, #tpu.memory_space<hbm>>
      %dma_wait3A_1038 = tpu.memref_squeeze %dma_wait3A_1037 : memref<1x8x2xi32, #tpu.memory_space<hbm>> -> memref<8x2xi32, #tpu.memory_space<hbm>>
      tpu.wait_dma2 semaphore(%run_scoped3A : memref<!tpu.dma_semaphore, #tpu.memory_space<semaphore_mem>>) src(%dma_wait3A_1038 : memref<8x2xi32, #tpu.memory_space<hbm>>) dst(%arg10 : memref<8x2xi32, #tpu.memory_space<vmem>>)
      tpu.yield
    }) : () -> ()
    %dma_start3A = arith.constant 0 : i32
    %dma_start3A_1 = arith.constant 0 : i32
    %dma_start3A_2 = tpu.memref_slice %arg8[%dma_start3A, %dma_start3A_1] : memref<24x2xi32, #tpu.memory_space<vmem>> -> memref<1x2xi32, #tpu.memory_space<vmem>>
    %dma_start3A_3 = tpu.memref_squeeze %dma_start3A_2 : memref<1x2xi32, #tpu.memory_space<vmem>> -> memref<2xi32, #tpu.memory_space<vmem>>
    %dma_start3A_4 = arith.constant 0 : i32
    %dma_start3A_5 = arith.constant 0 : i32
    %dma_start3A_6 = arith.constant 0 : i32
    %dma_start3A_7 = tpu.memref_slice %arg3[%dma_start3A_4, %dma_start3A_5, %dma_start3A_6] : memref<2048x16x1024xf32, #tpu.memory_space<hbm>> -> memref<2048x16x1024xf32, #tpu.memory_space<hbm>>
    tpu.enqueue_indirect_dma source(%dma_start3A_7 : memref<2048x16x1024xf32, #tpu.memory_space<hbm>>) target(%arg11 : memref<2x16x1024xf32, #tpu.memory_space<vmem>>) offsets(%dma_start3A_3 : memref<2xi32, #tpu.memory_space<vmem>>) semaphore(%arg14 : memref<!tpu.dma_semaphore, #tpu.memory_space<semaphore_mem>>)
    %dma_start3A_8 = arith.constant 1 : i32
    %dma_start3A_9 = arith.constant 0 : i32
    %dma_start3A_10 = tpu.memref_slice %arg8[%dma_start3A_8, %dma_start3A_9] : memref<24x2xi32, #tpu.memory_space<vmem>> -> memref<1x2xi32, #tpu.memory_space<vmem>>
    %dma_start3A_11 = tpu.memref_squeeze %dma_start3A_10 : memref<1x2xi32, #tpu.memory_space<vmem>> -> memref<2xi32, #tpu.memory_space<vmem>>
    %dma_start3A_12 = arith.constant 0 : i32
    %dma_start3A_13 = arith.constant 0 : i32
    %dma_start3A_14 = arith.constant 0 : i32
    %dma_start3A_15 = tpu.memref_slice %arg3[%dma_start3A_12, %dma_start3A_13, %dma_start3A_14] : memref<2048x16x1024xf32, #tpu.memory_space<hbm>> -> memref<2048x16x1024xf32, #tpu.memory_space<hbm>>
    tpu.enqueue_indirect_dma source(%dma_start3A_15 : memref<2048x16x1024xf32, #tpu.memory_space<hbm>>) target(%arg12 : memref<2x16x1024xf32, #tpu.memory_space<vmem>>) offsets(%dma_start3A_11 : memref<2xi32, #tpu.memory_space<vmem>>) semaphore(%arg15 : memref<!tpu.dma_semaphore, #tpu.memory_space<semaphore_mem>>)
    %dma_start3A_16 = arith.constant 2 : i32
    %dma_start3A_17 = arith.constant 0 : i32
    %dma_start3A_18 = tpu.memref_slice %arg8[%dma_start3A_16, %dma_start3A_17] : memref<24x2xi32, #tpu.memory_space<vmem>> -> memref<1x2xi32, #tpu.memory_space<vmem>>
    %dma_start3A_19 = tpu.memref_squeeze %dma_start3A_18 : memref<1x2xi32, #tpu.memory_space<vmem>> -> memref<2xi32, #tpu.memory_space<vmem>>
    %dma_start3A_20 = arith.constant 0 : i32
    %dma_start3A_21 = arith.constant 0 : i32
    %dma_start3A_22 = arith.constant 0 : i32
    %dma_start3A_23 = tpu.memref_slice %arg3[%dma_start3A_20, %dma_start3A_21, %dma_start3A_22] : memref<2048x16x1024xf32, #tpu.memory_space<hbm>> -> memref<2048x16x1024xf32, #tpu.memory_space<hbm>>
    tpu.enqueue_indirect_dma source(%dma_start3A_23 : memref<2048x16x1024xf32, #tpu.memory_space<hbm>>) target(%arg13 : memref<2x16x1024xf32, #tpu.memory_space<vmem>>) offsets(%dma_start3A_19 : memref<2xi32, #tpu.memory_space<vmem>>) semaphore(%arg16 : memref<!tpu.dma_semaphore, #tpu.memory_space<semaphore_mem>>)
    %dma_wait3A = arith.constant 0 : i32
    %dma_wait3A_24 = arith.constant 0 : i32
    %dma_wait3A_25 = tpu.memref_slice %arg8[%dma_wait3A, %dma_wait3A_24] : memref<24x2xi32, #tpu.memory_space<vmem>> -> memref<1x2xi32, #tpu.memory_space<vmem>>
    %dma_wait3A_26 = tpu.memref_squeeze %dma_wait3A_25 : memref<1x2xi32, #tpu.memory_space<vmem>> -> memref<2xi32, #tpu.memory_space<vmem>>
    %dma_wait3A_27 = arith.constant 0 : i32
    %dma_wait3A_28 = arith.constant 0 : i32
    %dma_wait3A_29 = arith.constant 0 : i32
    %dma_wait3A_30 = tpu.memref_slice %arg3[%dma_wait3A_27, %dma_wait3A_28, %dma_wait3A_29] : memref<2048x16x1024xf32, #tpu.memory_space<hbm>> -> memref<2048x16x1024xf32, #tpu.memory_space<hbm>>
    tpu.wait_indirect_dma semaphore(%arg14 : memref<!tpu.dma_semaphore, #tpu.memory_space<semaphore_mem>>) src(%dma_wait3A_30 : memref<2048x16x1024xf32, #tpu.memory_space<hbm>>) dst(%arg11 : memref<2x16x1024xf32, #tpu.memory_space<vmem>>)
    %dma_start3A_31 = arith.constant 0 : i32
    %dma_start3A_32 = arith.constant 0 : i32
    %dma_start3A_33 = tpu.memref_slice %arg8[%dma_start3A_31, %dma_start3A_32] : memref<24x2xi32, #tpu.memory_space<vmem>> -> memref<1x2xi32, #tpu.memory_space<vmem>>
    %dma_start3A_34 = tpu.memref_squeeze %dma_start3A_33 : memref<1x2xi32, #tpu.memory_space<vmem>> -> memref<2xi32, #tpu.memory_space<vmem>>
    %dma_start3A_35 = arith.constant 0 : i32
    %dma_start3A_36 = arith.constant 0 : i32
    %dma_start3A_37 = arith.constant 0 : i32
    %dma_start3A_38 = tpu.memref_slice %arg7[%dma_start3A_35, %dma_start3A_36, %dma_start3A_37] : memref<2048x16x1024xf32, #tpu.memory_space<hbm>> -> memref<2048x16x1024xf32, #tpu.memory_space<hbm>>
    tpu.enqueue_indirect_dma source(%arg11 : memref<2x16x1024xf32, #tpu.memory_space<vmem>>) target(%dma_start3A_38 : memref<2048x16x1024xf32, #tpu.memory_space<hbm>>) offsets(%dma_start3A_34 : memref<2xi32, #tpu.memory_space<vmem>>) semaphore(%arg17 : memref<!tpu.dma_semaphore, #tpu.memory_space<semaphore_mem>>)
    %dma_wait3A_39 = arith.constant 0 : i32
    %dma_wait3A_40 = arith.constant 0 : i32
    %dma_wait3A_41 = tpu.memref_slice %arg8[%dma_wait3A_39, %dma_wait3A_40] : memref<24x2xi32, #tpu.memory_space<vmem>> -> memref<1x2xi32, #tpu.memory_space<vmem>>
    %dma_wait3A_42 = tpu.memref_squeeze %dma_wait3A_41 : memref<1x2xi32, #tpu.memory_space<vmem>> -> memref<2xi32, #tpu.memory_space<vmem>>
    %dma_wait3A_43 = arith.constant 0 : i32
    %dma_wait3A_44 = arith.constant 0 : i32
    %dma_wait3A_45 = arith.constant 0 : i32
    %dma_wait3A_46 = tpu.memref_slice %arg7[%dma_wait3A_43, %dma_wait3A_44, %dma_wait3A_45] : memref<2048x16x1024xf32, #tpu.memory_space<hbm>> -> memref<2048x16x1024xf32, #tpu.memory_space<hbm>>
    tpu.wait_indirect_dma semaphore(%arg17 : memref<!tpu.dma_semaphore, #tpu.memory_space<semaphore_mem>>) src(%arg11 : memref<2x16x1024xf32, #tpu.memory_space<vmem>>) dst(%dma_wait3A_46 : memref<2048x16x1024xf32, #tpu.memory_space<hbm>>)
    %dma_start3A_47 = arith.constant 3 : i32
    %dma_start3A_48 = arith.constant 0 : i32
    %dma_start3A_49 = tpu.memref_slice %arg8[%dma_start3A_47, %dma_start3A_48] : memref<24x2xi32, #tpu.memory_space<vmem>> -> memref<1x2xi32, #tpu.memory_space<vmem>>
    %dma_start3A_50 = tpu.memref_squeeze %dma_start3A_49 : memref<1x2xi32, #tpu.memory_space<vmem>> -> memref<2xi32, #tpu.memory_space<vmem>>
    %dma_start3A_51 = arith.constant 0 : i32
    %dma_start3A_52 = arith.constant 0 : i32
    %dma_start3A_53 = arith.constant 0 : i32
    %dma_start3A_54 = tpu.memref_slice %arg3[%dma_start3A_51, %dma_start3A_52, %dma_start3A_53] : memref<2048x16x1024xf32, #tpu.memory_space<hbm>> -> memref<2048x16x1024xf32, #tpu.memory_space<hbm>>
    tpu.enqueue_indirect_dma source(%dma_start3A_54 : memref<2048x16x1024xf32, #tpu.memory_space<hbm>>) target(%arg11 : memref<2x16x1024xf32, #tpu.memory_space<vmem>>) offsets(%dma_start3A_50 : memref<2xi32, #tpu.memory_space<vmem>>) semaphore(%arg14 : memref<!tpu.dma_semaphore, #tpu.memory_space<semaphore_mem>>)
    %dma_wait3A_55 = arith.constant 1 : i32
    %dma_wait3A_56 = arith.constant 0 : i32
    %dma_wait3A_57 = tpu.memref_slice %arg8[%dma_wait3A_55, %dma_wait3A_56] : memref<24x2xi32, #tpu.memory_space<vmem>> -> memref<1x2xi32, #tpu.memory_space<vmem>>
    %dma_wait3A_58 = tpu.memref_squeeze %dma_wait3A_57 : memref<1x2xi32, #tpu.memory_space<vmem>> -> memref<2xi32, #tpu.memory_space<vmem>>
    %dma_wait3A_59 = arith.constant 0 : i32
    %dma_wait3A_60 = arith.constant 0 : i32
    %dma_wait3A_61 = arith.constant 0 : i32
    %dma_wait3A_62 = tpu.memref_slice %arg3[%dma_wait3A_59, %dma_wait3A_60, %dma_wait3A_61] : memref<2048x16x1024xf32, #tpu.memory_space<hbm>> -> memref<2048x16x1024xf32, #tpu.memory_space<hbm>>
    tpu.wait_indirect_dma semaphore(%arg15 : memref<!tpu.dma_semaphore, #tpu.memory_space<semaphore_mem>>) src(%dma_wait3A_62 : memref<2048x16x1024xf32, #tpu.memory_space<hbm>>) dst(%arg12 : memref<2x16x1024xf32, #tpu.memory_space<vmem>>)
    %dma_start3A_63 = arith.constant 1 : i32
    %dma_start3A_64 = arith.constant 0 : i32
    %dma_start3A_65 = tpu.memref_slice %arg8[%dma_start3A_63, %dma_start3A_64] : memref<24x2xi32, #tpu.memory_space<vmem>> -> memref<1x2xi32, #tpu.memory_space<vmem>>
    %dma_start3A_66 = tpu.memref_squeeze %dma_start3A_65 : memref<1x2xi32, #tpu.memory_space<vmem>> -> memref<2xi32, #tpu.memory_space<vmem>>
    %dma_start3A_67 = arith.constant 0 : i32
    %dma_start3A_68 = arith.constant 0 : i32
    %dma_start3A_69 = arith.constant 0 : i32
    %dma_start3A_70 = tpu.memref_slice %arg7[%dma_start3A_67, %dma_start3A_68, %dma_start3A_69] : memref<2048x16x1024xf32, #tpu.memory_space<hbm>> -> memref<2048x16x1024xf32, #tpu.memory_space<hbm>>
    tpu.enqueue_indirect_dma source(%arg12 : memref<2x16x1024xf32, #tpu.memory_space<vmem>>) target(%dma_start3A_70 : memref<2048x16x1024xf32, #tpu.memory_space<hbm>>) offsets(%dma_start3A_66 : memref<2xi32, #tpu.memory_space<vmem>>) semaphore(%arg18 : memref<!tpu.dma_semaphore, #tpu.memory_space<semaphore_mem>>)
    %dma_wait3A_71 = arith.constant 1 : i32
    %dma_wait3A_72 = arith.constant 0 : i32
    %dma_wait3A_73 = tpu.memref_slice %arg8[%dma_wait3A_71, %dma_wait3A_72] : memref<24x2xi32, #tpu.memory_space<vmem>> -> memref<1x2xi32, #tpu.memory_space<vmem>>
    %dma_wait3A_74 = tpu.memref_squeeze %dma_wait3A_73 : memref<1x2xi32, #tpu.memory_space<vmem>> -> memref<2xi32, #tpu.memory_space<vmem>>
    %dma_wait3A_75 = arith.constant 0 : i32
    %dma_wait3A_76 = arith.constant 0 : i32
    %dma_wait3A_77 = arith.constant 0 : i32
    %dma_wait3A_78 = tpu.memref_slice %arg7[%dma_wait3A_75, %dma_wait3A_76, %dma_wait3A_77] : memref<2048x16x1024xf32, #tpu.memory_space<hbm>> -> memref<2048x16x1024xf32, #tpu.memory_space<hbm>>
    tpu.wait_indirect_dma semaphore(%arg18 : memref<!tpu.dma_semaphore, #tpu.memory_space<semaphore_mem>>) src(%arg12 : memref<2x16x1024xf32, #tpu.memory_space<vmem>>) dst(%dma_wait3A_78 : memref<2048x16x1024xf32, #tpu.memory_space<hbm>>)
    %dma_start3A_79 = arith.constant 4 : i32
    %dma_start3A_80 = arith.constant 0 : i32
    %dma_start3A_81 = tpu.memref_slice %arg8[%dma_start3A_79, %dma_start3A_80] : memref<24x2xi32, #tpu.memory_space<vmem>> -> memref<1x2xi32, #tpu.memory_space<vmem>>
    %dma_start3A_82 = tpu.memref_squeeze %dma_start3A_81 : memref<1x2xi32, #tpu.memory_space<vmem>> -> memref<2xi32, #tpu.memory_space<vmem>>
    %dma_start3A_83 = arith.constant 0 : i32
    %dma_start3A_84 = arith.constant 0 : i32
    %dma_start3A_85 = arith.constant 0 : i32
    %dma_start3A_86 = tpu.memref_slice %arg3[%dma_start3A_83, %dma_start3A_84, %dma_start3A_85] : memref<2048x16x1024xf32, #tpu.memory_space<hbm>> -> memref<2048x16x1024xf32, #tpu.memory_space<hbm>>
    tpu.enqueue_indirect_dma source(%dma_start3A_86 : memref<2048x16x1024xf32, #tpu.memory_space<hbm>>) target(%arg12 : memref<2x16x1024xf32, #tpu.memory_space<vmem>>) offsets(%dma_start3A_82 : memref<2xi32, #tpu.memory_space<vmem>>) semaphore(%arg15 : memref<!tpu.dma_semaphore, #tpu.memory_space<semaphore_mem>>)
    %dma_wait3A_87 = arith.constant 2 : i32
    %dma_wait3A_88 = arith.constant 0 : i32
    %dma_wait3A_89 = tpu.memref_slice %arg8[%dma_wait3A_87, %dma_wait3A_88] : memref<24x2xi32, #tpu.memory_space<vmem>> -> memref<1x2xi32, #tpu.memory_space<vmem>>
    %dma_wait3A_90 = tpu.memref_squeeze %dma_wait3A_89 : memref<1x2xi32, #tpu.memory_space<vmem>> -> memref<2xi32, #tpu.memory_space<vmem>>
    %dma_wait3A_91 = arith.constant 0 : i32
    %dma_wait3A_92 = arith.constant 0 : i32
    %dma_wait3A_93 = arith.constant 0 : i32
    %dma_wait3A_94 = tpu.memref_slice %arg3[%dma_wait3A_91, %dma_wait3A_92, %dma_wait3A_93] : memref<2048x16x1024xf32, #tpu.memory_space<hbm>> -> memref<2048x16x1024xf32, #tpu.memory_space<hbm>>
    tpu.wait_indirect_dma semaphore(%arg16 : memref<!tpu.dma_semaphore, #tpu.memory_space<semaphore_mem>>) src(%dma_wait3A_94 : memref<2048x16x1024xf32, #tpu.memory_space<hbm>>) dst(%arg13 : memref<2x16x1024xf32, #tpu.memory_space<vmem>>)
    %dma_start3A_95 = arith.constant 2 : i32
    %dma_start3A_96 = arith.constant 0 : i32
    %dma_start3A_97 = tpu.memref_slice %arg8[%dma_start3A_95, %dma_start3A_96] : memref<24x2xi32, #tpu.memory_space<vmem>> -> memref<1x2xi32, #tpu.memory_space<vmem>>
    %dma_start3A_98 = tpu.memref_squeeze %dma_start3A_97 : memref<1x2xi32, #tpu.memory_space<vmem>> -> memref<2xi32, #tpu.memory_space<vmem>>
    %dma_start3A_99 = arith.constant 0 : i32
    %dma_start3A_100 = arith.constant 0 : i32
    %dma_start3A_101 = arith.constant 0 : i32
    %dma_start3A_102 = tpu.memref_slice %arg7[%dma_start3A_99, %dma_start3A_100, %dma_start3A_101] : memref<2048x16x1024xf32, #tpu.memory_space<hbm>> -> memref<2048x16x1024xf32, #tpu.memory_space<hbm>>
    tpu.enqueue_indirect_dma source(%arg13 : memref<2x16x1024xf32, #tpu.memory_space<vmem>>) target(%dma_start3A_102 : memref<2048x16x1024xf32, #tpu.memory_space<hbm>>) offsets(%dma_start3A_98 : memref<2xi32, #tpu.memory_space<vmem>>) semaphore(%arg19 : memref<!tpu.dma_semaphore, #tpu.memory_space<semaphore_mem>>)
    %dma_wait3A_103 = arith.constant 2 : i32
    %dma_wait3A_104 = arith.constant 0 : i32
    %dma_wait3A_105 = tpu.memref_slice %arg8[%dma_wait3A_103, %dma_wait3A_104] : memref<24x2xi32, #tpu.memory_space<vmem>> -> memref<1x2xi32, #tpu.memory_space<vmem>>
    %dma_wait3A_106 = tpu.memref_squeeze %dma_wait3A_105 : memref<1x2xi32, #tpu.memory_space<vmem>> -> memref<2xi32, #tpu.memory_space<vmem>>
    %dma_wait3A_107 = arith.constant 0 : i32
    %dma_wait3A_108 = arith.constant 0 : i32
    %dma_wait3A_109 = arith.constant 0 : i32
    %dma_wait3A_110 = tpu.memref_slice %arg7[%dma_wait3A_107, %dma_wait3A_108, %dma_wait3A_109] : memref<2048x16x1024xf32, #tpu.memory_space<hbm>> -> memref<2048x16x1024xf32, #tpu.memory_space<hbm>>
    tpu.wait_indirect_dma semaphore(%arg19 : memref<!tpu.dma_semaphore, #tpu.memory_space<semaphore_mem>>) src(%arg13 : memref<2x16x1024xf32, #tpu.memory_space<vmem>>) dst(%dma_wait3A_110 : memref<2048x16x1024xf32, #tpu.memory_space<hbm>>)
    %dma_start3A_111 = arith.constant 5 : i32
    %dma_start3A_112 = arith.constant 0 : i32
    %dma_start3A_113 = tpu.memref_slice %arg8[%dma_start3A_111, %dma_start3A_112] : memref<24x2xi32, #tpu.memory_space<vmem>> -> memref<1x2xi32, #tpu.memory_space<vmem>>
    %dma_start3A_114 = tpu.memref_squeeze %dma_start3A_113 : memref<1x2xi32, #tpu.memory_space<vmem>> -> memref<2xi32, #tpu.memory_space<vmem>>
    %dma_start3A_115 = arith.constant 0 : i32
    %dma_start3A_116 = arith.constant 0 : i32
    %dma_start3A_117 = arith.constant 0 : i32
    %dma_start3A_118 = tpu.memref_slice %arg3[%dma_start3A_115, %dma_start3A_116, %dma_start3A_117] : memref<2048x16x1024xf32, #tpu.memory_space<hbm>> -> memref<2048x16x1024xf32, #tpu.memory_space<hbm>>
    tpu.enqueue_indirect_dma source(%dma_start3A_118 : memref<2048x16x1024xf32, #tpu.memory_space<hbm>>) target(%arg13 : memref<2x16x1024xf32, #tpu.memory_space<vmem>>) offsets(%dma_start3A_114 : memref<2xi32, #tpu.memory_space<vmem>>) semaphore(%arg16 : memref<!tpu.dma_semaphore, #tpu.memory_space<semaphore_mem>>)
    %dma_wait3A_119 = arith.constant 3 : i32
    %dma_wait3A_120 = arith.constant 0 : i32
    %dma_wait3A_121 = tpu.memref_slice %arg8[%dma_wait3A_119, %dma_wait3A_120] : memref<24x2xi32, #tpu.memory_space<vmem>> -> memref<1x2xi32, #tpu.memory_space<vmem>>
    %dma_wait3A_122 = tpu.memref_squeeze %dma_wait3A_121 : memref<1x2xi32, #tpu.memory_space<vmem>> -> memref<2xi32, #tpu.memory_space<vmem>>
    %dma_wait3A_123 = arith.constant 0 : i32
    %dma_wait3A_124 = arith.constant 0 : i32
    %dma_wait3A_125 = arith.constant 0 : i32
    %dma_wait3A_126 = tpu.memref_slice %arg3[%dma_wait3A_123, %dma_wait3A_124, %dma_wait3A_125] : memref<2048x16x1024xf32, #tpu.memory_space<hbm>> -> memref<2048x16x1024xf32, #tpu.memory_space<hbm>>
    tpu.wait_indirect_dma semaphore(%arg14 : memref<!tpu.dma_semaphore, #tpu.memory_space<semaphore_mem>>) src(%dma_wait3A_126 : memref<2048x16x1024xf32, #tpu.memory_space<hbm>>) dst(%arg11 : memref<2x16x1024xf32, #tpu.memory_space<vmem>>)
    %dma_start3A_127 = arith.constant 3 : i32
    %dma_start3A_128 = arith.constant 0 : i32
    %dma_start3A_129 = tpu.memref_slice %arg8[%dma_start3A_127, %dma_start3A_128] : memref<24x2xi32, #tpu.memory_space<vmem>> -> memref<1x2xi32, #tpu.memory_space<vmem>>
    %dma_start3A_130 = tpu.memref_squeeze %dma_start3A_129 : memref<1x2xi32, #tpu.memory_space<vmem>> -> memref<2xi32, #tpu.memory_space<vmem>>
    %dma_start3A_131 = arith.constant 0 : i32
    %dma_start3A_132 = arith.constant 0 : i32
    %dma_start3A_133 = arith.constant 0 : i32
    %dma_start3A_134 = tpu.memref_slice %arg7[%dma_start3A_131, %dma_start3A_132, %dma_start3A_133] : memref<2048x16x1024xf32, #tpu.memory_space<hbm>> -> memref<2048x16x1024xf32, #tpu.memory_space<hbm>>
    tpu.enqueue_indirect_dma source(%arg11 : memref<2x16x1024xf32, #tpu.memory_space<vmem>>) target(%dma_start3A_134 : memref<2048x16x1024xf32, #tpu.memory_space<hbm>>) offsets(%dma_start3A_130 : memref<2xi32, #tpu.memory_space<vmem>>) semaphore(%arg17 : memref<!tpu.dma_semaphore, #tpu.memory_space<semaphore_mem>>)
    %dma_wait3A_135 = arith.constant 3 : i32
    %dma_wait3A_136 = arith.constant 0 : i32
    %dma_wait3A_137 = tpu.memref_slice %arg8[%dma_wait3A_135, %dma_wait3A_136] : memref<24x2xi32, #tpu.memory_space<vmem>> -> memref<1x2xi32, #tpu.memory_space<vmem>>
    %dma_wait3A_138 = tpu.memref_squeeze %dma_wait3A_137 : memref<1x2xi32, #tpu.memory_space<vmem>> -> memref<2xi32, #tpu.memory_space<vmem>>
    %dma_wait3A_139 = arith.constant 0 : i32
    %dma_wait3A_140 = arith.constant 0 : i32
    %dma_wait3A_141 = arith.constant 0 : i32
    %dma_wait3A_142 = tpu.memref_slice %arg7[%dma_wait3A_139, %dma_wait3A_140, %dma_wait3A_141] : memref<2048x16x1024xf32, #tpu.memory_space<hbm>> -> memref<2048x16x1024xf32, #tpu.memory_space<hbm>>
    tpu.wait_indirect_dma semaphore(%arg17 : memref<!tpu.dma_semaphore, #tpu.memory_space<semaphore_mem>>) src(%arg11 : memref<2x16x1024xf32, #tpu.memory_space<vmem>>) dst(%dma_wait3A_142 : memref<2048x16x1024xf32, #tpu.memory_space<hbm>>)
    %dma_start3A_143 = arith.constant 6 : i32
    %dma_start3A_144 = arith.constant 0 : i32
    %dma_start3A_145 = tpu.memref_slice %arg8[%dma_start3A_143, %dma_start3A_144] : memref<24x2xi32, #tpu.memory_space<vmem>> -> memref<1x2xi32, #tpu.memory_space<vmem>>
    %dma_start3A_146 = tpu.memref_squeeze %dma_start3A_145 : memref<1x2xi32, #tpu.memory_space<vmem>> -> memref<2xi32, #tpu.memory_space<vmem>>
    %dma_start3A_147 = arith.constant 0 : i32
    %dma_start3A_148 = arith.constant 0 : i32
    %dma_start3A_149 = arith.constant 0 : i32
    %dma_start3A_150 = tpu.memref_slice %arg3[%dma_start3A_147, %dma_start3A_148, %dma_start3A_149] : memref<2048x16x1024xf32, #tpu.memory_space<hbm>> -> memref<2048x16x1024xf32, #tpu.memory_space<hbm>>
    tpu.enqueue_indirect_dma source(%dma_start3A_150 : memref<2048x16x1024xf32, #tpu.memory_space<hbm>>) target(%arg11 : memref<2x16x1024xf32, #tpu.memory_space<vmem>>) offsets(%dma_start3A_146 : memref<2xi32, #tpu.memory_space<vmem>>) semaphore(%arg14 : memref<!tpu.dma_semaphore, #tpu.memory_space<semaphore_mem>>)
    %dma_wait3A_151 = arith.constant 4 : i32
    %dma_wait3A_152 = arith.constant 0 : i32
    %dma_wait3A_153 = tpu.memref_slice %arg8[%dma_wait3A_151, %dma_wait3A_152] : memref<24x2xi32, #tpu.memory_space<vmem>> -> memref<1x2xi32, #tpu.memory_space<vmem>>
    %dma_wait3A_154 = tpu.memref_squeeze %dma_wait3A_153 : memref<1x2xi32, #tpu.memory_space<vmem>> -> memref<2xi32, #tpu.memory_space<vmem>>
    %dma_wait3A_155 = arith.constant 0 : i32
    %dma_wait3A_156 = arith.constant 0 : i32
    %dma_wait3A_157 = arith.constant 0 : i32
    %dma_wait3A_158 = tpu.memref_slice %arg3[%dma_wait3A_155, %dma_wait3A_156, %dma_wait3A_157] : memref<2048x16x1024xf32, #tpu.memory_space<hbm>> -> memref<2048x16x1024xf32, #tpu.memory_space<hbm>>
    tpu.wait_indirect_dma semaphore(%arg15 : memref<!tpu.dma_semaphore, #tpu.memory_space<semaphore_mem>>) src(%dma_wait3A_158 : memref<2048x16x1024xf32, #tpu.memory_space<hbm>>) dst(%arg12 : memref<2x16x1024xf32, #tpu.memory_space<vmem>>)
    %dma_start3A_159 = arith.constant 4 : i32
    %dma_start3A_160 = arith.constant 0 : i32
    %dma_start3A_161 = tpu.memref_slice %arg8[%dma_start3A_159, %dma_start3A_160] : memref<24x2xi32, #tpu.memory_space<vmem>> -> memref<1x2xi32, #tpu.memory_space<vmem>>
    %dma_start3A_162 = tpu.memref_squeeze %dma_start3A_161 : memref<1x2xi32, #tpu.memory_space<vmem>> -> memref<2xi32, #tpu.memory_space<vmem>>
    %dma_start3A_163 = arith.constant 0 : i32
    %dma_start3A_164 = arith.constant 0 : i32
    %dma_start3A_165 = arith.constant 0 : i32
    %dma_start3A_166 = tpu.memref_slice %arg7[%dma_start3A_163, %dma_start3A_164, %dma_start3A_165] : memref<2048x16x1024xf32, #tpu.memory_space<hbm>> -> memref<2048x16x1024xf32, #tpu.memory_space<hbm>>
    tpu.enqueue_indirect_dma source(%arg12 : memref<2x16x1024xf32, #tpu.memory_space<vmem>>) target(%dma_start3A_166 : memref<2048x16x1024xf32, #tpu.memory_space<hbm>>) offsets(%dma_start3A_162 : memref<2xi32, #tpu.memory_space<vmem>>) semaphore(%arg18 : memref<!tpu.dma_semaphore, #tpu.memory_space<semaphore_mem>>)
    %dma_wait3A_167 = arith.constant 4 : i32
    %dma_wait3A_168 = arith.constant 0 : i32
    %dma_wait3A_169 = tpu.memref_slice %arg8[%dma_wait3A_167, %dma_wait3A_168] : memref<24x2xi32, #tpu.memory_space<vmem>> -> memref<1x2xi32, #tpu.memory_space<vmem>>
    %dma_wait3A_170 = tpu.memref_squeeze %dma_wait3A_169 : memref<1x2xi32, #tpu.memory_space<vmem>> -> memref<2xi32, #tpu.memory_space<vmem>>
    %dma_wait3A_171 = arith.constant 0 : i32
    %dma_wait3A_172 = arith.constant 0 : i32
    %dma_wait3A_173 = arith.constant 0 : i32
    %dma_wait3A_174 = tpu.memref_slice %arg7[%dma_wait3A_171, %dma_wait3A_172, %dma_wait3A_173] : memref<2048x16x1024xf32, #tpu.memory_space<hbm>> -> memref<2048x16x1024xf32, #tpu.memory_space<hbm>>
    tpu.wait_indirect_dma semaphore(%arg18 : memref<!tpu.dma_semaphore, #tpu.memory_space<semaphore_mem>>) src(%arg12 : memref<2x16x1024xf32, #tpu.memory_space<vmem>>) dst(%dma_wait3A_174 : memref<2048x16x1024xf32, #tpu.memory_space<hbm>>)
    %dma_start3A_175 = arith.constant 7 : i32
    %dma_start3A_176 = arith.constant 0 : i32
    %dma_start3A_177 = tpu.memref_slice %arg8[%dma_start3A_175, %dma_start3A_176] : memref<24x2xi32, #tpu.memory_space<vmem>> -> memref<1x2xi32, #tpu.memory_space<vmem>>
    %dma_start3A_178 = tpu.memref_squeeze %dma_start3A_177 : memref<1x2xi32, #tpu.memory_space<vmem>> -> memref<2xi32, #tpu.memory_space<vmem>>
    %dma_start3A_179 = arith.constant 0 : i32
    %dma_start3A_180 = arith.constant 0 : i32
    %dma_start3A_181 = arith.constant 0 : i32
    %dma_start3A_182 = tpu.memref_slice %arg3[%dma_start3A_179, %dma_start3A_180, %dma_start3A_181] : memref<2048x16x1024xf32, #tpu.memory_space<hbm>> -> memref<2048x16x1024xf32, #tpu.memory_space<hbm>>
    tpu.enqueue_indirect_dma source(%dma_start3A_182 : memref<2048x16x1024xf32, #tpu.memory_space<hbm>>) target(%arg12 : memref<2x16x1024xf32, #tpu.memory_space<vmem>>) offsets(%dma_start3A_178 : memref<2xi32, #tpu.memory_space<vmem>>) semaphore(%arg15 : memref<!tpu.dma_semaphore, #tpu.memory_space<semaphore_mem>>)
    %dma_wait3A_183 = arith.constant 5 : i32
    %dma_wait3A_184 = arith.constant 0 : i32
    %dma_wait3A_185 = tpu.memref_slice %arg8[%dma_wait3A_183, %dma_wait3A_184] : memref<24x2xi32, #tpu.memory_space<vmem>> -> memref<1x2xi32, #tpu.memory_space<vmem>>
    %dma_wait3A_186 = tpu.memref_squeeze %dma_wait3A_185 : memref<1x2xi32, #tpu.memory_space<vmem>> -> memref<2xi32, #tpu.memory_space<vmem>>
    %dma_wait3A_187 = arith.constant 0 : i32
    %dma_wait3A_188 = arith.constant 0 : i32
    %dma_wait3A_189 = arith.constant 0 : i32
    %dma_wait3A_190 = tpu.memref_slice %arg3[%dma_wait3A_187, %dma_wait3A_188, %dma_wait3A_189] : memref<2048x16x1024xf32, #tpu.memory_space<hbm>> -> memref<2048x16x1024xf32, #tpu.memory_space<hbm>>
    tpu.wait_indirect_dma semaphore(%arg16 : memref<!tpu.dma_semaphore, #tpu.memory_space<semaphore_mem>>) src(%dma_wait3A_190 : memref<2048x16x1024xf32, #tpu.memory_space<hbm>>) dst(%arg13 : memref<2x16x1024xf32, #tpu.memory_space<vmem>>)
    %dma_start3A_191 = arith.constant 5 : i32
    %dma_start3A_192 = arith.constant 0 : i32
    %dma_start3A_193 = tpu.memref_slice %arg8[%dma_start3A_191, %dma_start3A_192] : memref<24x2xi32, #tpu.memory_space<vmem>> -> memref<1x2xi32, #tpu.memory_space<vmem>>
    %dma_start3A_194 = tpu.memref_squeeze %dma_start3A_193 : memref<1x2xi32, #tpu.memory_space<vmem>> -> memref<2xi32, #tpu.memory_space<vmem>>
    %dma_start3A_195 = arith.constant 0 : i32
    %dma_start3A_196 = arith.constant 0 : i32
    %dma_start3A_197 = arith.constant 0 : i32
    %dma_start3A_198 = tpu.memref_slice %arg7[%dma_start3A_195, %dma_start3A_196, %dma_start3A_197] : memref<2048x16x1024xf32, #tpu.memory_space<hbm>> -> memref<2048x16x1024xf32, #tpu.memory_space<hbm>>
    tpu.enqueue_indirect_dma source(%arg13 : memref<2x16x1024xf32, #tpu.memory_space<vmem>>) target(%dma_start3A_198 : memref<2048x16x1024xf32, #tpu.memory_space<hbm>>) offsets(%dma_start3A_194 : memref<2xi32, #tpu.memory_space<vmem>>) semaphore(%arg19 : memref<!tpu.dma_semaphore, #tpu.memory_space<semaphore_mem>>)
    %dma_wait3A_199 = arith.constant 5 : i32
    %dma_wait3A_200 = arith.constant 0 : i32
    %dma_wait3A_201 = tpu.memref_slice %arg8[%dma_wait3A_199, %dma_wait3A_200] : memref<24x2xi32, #tpu.memory_space<vmem>> -> memref<1x2xi32, #tpu.memory_space<vmem>>
    %dma_wait3A_202 = tpu.memref_squeeze %dma_wait3A_201 : memref<1x2xi32, #tpu.memory_space<vmem>> -> memref<2xi32, #tpu.memory_space<vmem>>
    %dma_wait3A_203 = arith.constant 0 : i32
    %dma_wait3A_204 = arith.constant 0 : i32
    %dma_wait3A_205 = arith.constant 0 : i32
    %dma_wait3A_206 = tpu.memref_slice %arg7[%dma_wait3A_203, %dma_wait3A_204, %dma_wait3A_205] : memref<2048x16x1024xf32, #tpu.memory_space<hbm>> -> memref<2048x16x1024xf32, #tpu.memory_space<hbm>>
    tpu.wait_indirect_dma semaphore(%arg19 : memref<!tpu.dma_semaphore, #tpu.memory_space<semaphore_mem>>) src(%arg13 : memref<2x16x1024xf32, #tpu.memory_space<vmem>>) dst(%dma_wait3A_206 : memref<2048x16x1024xf32, #tpu.memory_space<hbm>>)
    %dma_start3A_207 = arith.constant 8 : i32
    %dma_start3A_208 = arith.constant 0 : i32
    %dma_start3A_209 = tpu.memref_slice %arg8[%dma_start3A_207, %dma_start3A_208] : memref<24x2xi32, #tpu.memory_space<vmem>> -> memref<1x2xi32, #tpu.memory_space<vmem>>
    %dma_start3A_210 = tpu.memref_squeeze %dma_start3A_209 : memref<1x2xi32, #tpu.memory_space<vmem>> -> memref<2xi32, #tpu.memory_space<vmem>>
    %dma_start3A_211 = arith.constant 0 : i32
    %dma_start3A_212 = arith.constant 0 : i32
    %dma_start3A_213 = arith.constant 0 : i32
    %dma_start3A_214 = tpu.memref_slice %arg3[%dma_start3A_211, %dma_start3A_212, %dma_start3A_213] : memref<2048x16x1024xf32, #tpu.memory_space<hbm>> -> memref<2048x16x1024xf32, #tpu.memory_space<hbm>>
    tpu.enqueue_indirect_dma source(%dma_start3A_214 : memref<2048x16x1024xf32, #tpu.memory_space<hbm>>) target(%arg13 : memref<2x16x1024xf32, #tpu.memory_space<vmem>>) offsets(%dma_start3A_210 : memref<2xi32, #tpu.memory_space<vmem>>) semaphore(%arg16 : memref<!tpu.dma_semaphore, #tpu.memory_space<semaphore_mem>>)
    %dma_wait3A_215 = arith.constant 6 : i32
    %dma_wait3A_216 = arith.constant 0 : i32
    %dma_wait3A_217 = tpu.memref_slice %arg8[%dma_wait3A_215, %dma_wait3A_216] : memref<24x2xi32, #tpu.memory_space<vmem>> -> memref<1x2xi32, #tpu.memory_space<vmem>>
    %dma_wait3A_218 = tpu.memref_squeeze %dma_wait3A_217 : memref<1x2xi32, #tpu.memory_space<vmem>> -> memref<2xi32, #tpu.memory_space<vmem>>
    %dma_wait3A_219 = arith.constant 0 : i32
    %dma_wait3A_220 = arith.constant 0 : i32
    %dma_wait3A_221 = arith.constant 0 : i32
    %dma_wait3A_222 = tpu.memref_slice %arg3[%dma_wait3A_219, %dma_wait3A_220, %dma_wait3A_221] : memref<2048x16x1024xf32, #tpu.memory_space<hbm>> -> memref<2048x16x1024xf32, #tpu.memory_space<hbm>>
    tpu.wait_indirect_dma semaphore(%arg14 : memref<!tpu.dma_semaphore, #tpu.memory_space<semaphore_mem>>) src(%dma_wait3A_222 : memref<2048x16x1024xf32, #tpu.memory_space<hbm>>) dst(%arg11 : memref<2x16x1024xf32, #tpu.memory_space<vmem>>)
    %dma_start3A_223 = arith.constant 6 : i32
    %dma_start3A_224 = arith.constant 0 : i32
    %dma_start3A_225 = tpu.memref_slice %arg8[%dma_start3A_223, %dma_start3A_224] : memref<24x2xi32, #tpu.memory_space<vmem>> -> memref<1x2xi32, #tpu.memory_space<vmem>>
    %dma_start3A_226 = tpu.memref_squeeze %dma_start3A_225 : memref<1x2xi32, #tpu.memory_space<vmem>> -> memref<2xi32, #tpu.memory_space<vmem>>
    %dma_start3A_227 = arith.constant 0 : i32
    %dma_start3A_228 = arith.constant 0 : i32
    %dma_start3A_229 = arith.constant 0 : i32
    %dma_start3A_230 = tpu.memref_slice %arg7[%dma_start3A_227, %dma_start3A_228, %dma_start3A_229] : memref<2048x16x1024xf32, #tpu.memory_space<hbm>> -> memref<2048x16x1024xf32, #tpu.memory_space<hbm>>
    tpu.enqueue_indirect_dma source(%arg11 : memref<2x16x1024xf32, #tpu.memory_space<vmem>>) target(%dma_start3A_230 : memref<2048x16x1024xf32, #tpu.memory_space<hbm>>) offsets(%dma_start3A_226 : memref<2xi32, #tpu.memory_space<vmem>>) semaphore(%arg17 : memref<!tpu.dma_semaphore, #tpu.memory_space<semaphore_mem>>)
    %dma_wait3A_231 = arith.constant 6 : i32
    %dma_wait3A_232 = arith.constant 0 : i32
    %dma_wait3A_233 = tpu.memref_slice %arg8[%dma_wait3A_231, %dma_wait3A_232] : memref<24x2xi32, #tpu.memory_space<vmem>> -> memref<1x2xi32, #tpu.memory_space<vmem>>
    %dma_wait3A_234 = tpu.memref_squeeze %dma_wait3A_233 : memref<1x2xi32, #tpu.memory_space<vmem>> -> memref<2xi32, #tpu.memory_space<vmem>>
    %dma_wait3A_235 = arith.constant 0 : i32
    %dma_wait3A_236 = arith.constant 0 : i32
    %dma_wait3A_237 = arith.constant 0 : i32
    %dma_wait3A_238 = tpu.memref_slice %arg7[%dma_wait3A_235, %dma_wait3A_236, %dma_wait3A_237] : memref<2048x16x1024xf32, #tpu.memory_space<hbm>> -> memref<2048x16x1024xf32, #tpu.memory_space<hbm>>
    tpu.wait_indirect_dma semaphore(%arg17 : memref<!tpu.dma_semaphore, #tpu.memory_space<semaphore_mem>>) src(%arg11 : memref<2x16x1024xf32, #tpu.memory_space<vmem>>) dst(%dma_wait3A_238 : memref<2048x16x1024xf32, #tpu.memory_space<hbm>>)
    %dma_start3A_239 = arith.constant 9 : i32
    %dma_start3A_240 = arith.constant 0 : i32
    %dma_start3A_241 = tpu.memref_slice %arg8[%dma_start3A_239, %dma_start3A_240] : memref<24x2xi32, #tpu.memory_space<vmem>> -> memref<1x2xi32, #tpu.memory_space<vmem>>
    %dma_start3A_242 = tpu.memref_squeeze %dma_start3A_241 : memref<1x2xi32, #tpu.memory_space<vmem>> -> memref<2xi32, #tpu.memory_space<vmem>>
    %dma_start3A_243 = arith.constant 0 : i32
    %dma_start3A_244 = arith.constant 0 : i32
    %dma_start3A_245 = arith.constant 0 : i32
    %dma_start3A_246 = tpu.memref_slice %arg3[%dma_start3A_243, %dma_start3A_244, %dma_start3A_245] : memref<2048x16x1024xf32, #tpu.memory_space<hbm>> -> memref<2048x16x1024xf32, #tpu.memory_space<hbm>>
    tpu.enqueue_indirect_dma source(%dma_start3A_246 : memref<2048x16x1024xf32, #tpu.memory_space<hbm>>) target(%arg11 : memref<2x16x1024xf32, #tpu.memory_space<vmem>>) offsets(%dma_start3A_242 : memref<2xi32, #tpu.memory_space<vmem>>) semaphore(%arg14 : memref<!tpu.dma_semaphore, #tpu.memory_space<semaphore_mem>>)
    %dma_wait3A_247 = arith.constant 7 : i32
    %dma_wait3A_248 = arith.constant 0 : i32
    %dma_wait3A_249 = tpu.memref_slice %arg8[%dma_wait3A_247, %dma_wait3A_248] : memref<24x2xi32, #tpu.memory_space<vmem>> -> memref<1x2xi32, #tpu.memory_space<vmem>>
    %dma_wait3A_250 = tpu.memref_squeeze %dma_wait3A_249 : memref<1x2xi32, #tpu.memory_space<vmem>> -> memref<2xi32, #tpu.memory_space<vmem>>
    %dma_wait3A_251 = arith.constant 0 : i32
    %dma_wait3A_252 = arith.constant 0 : i32
    %dma_wait3A_253 = arith.constant 0 : i32
    %dma_wait3A_254 = tpu.memref_slice %arg3[%dma_wait3A_251, %dma_wait3A_252, %dma_wait3A_253] : memref<2048x16x1024xf32, #tpu.memory_space<hbm>> -> memref<2048x16x1024xf32, #tpu.memory_space<hbm>>
    tpu.wait_indirect_dma semaphore(%arg15 : memref<!tpu.dma_semaphore, #tpu.memory_space<semaphore_mem>>) src(%dma_wait3A_254 : memref<2048x16x1024xf32, #tpu.memory_space<hbm>>) dst(%arg12 : memref<2x16x1024xf32, #tpu.memory_space<vmem>>)
    %dma_start3A_255 = arith.constant 7 : i32
    %dma_start3A_256 = arith.constant 0 : i32
    %dma_start3A_257 = tpu.memref_slice %arg8[%dma_start3A_255, %dma_start3A_256] : memref<24x2xi32, #tpu.memory_space<vmem>> -> memref<1x2xi32, #tpu.memory_space<vmem>>
    %dma_start3A_258 = tpu.memref_squeeze %dma_start3A_257 : memref<1x2xi32, #tpu.memory_space<vmem>> -> memref<2xi32, #tpu.memory_space<vmem>>
    %dma_start3A_259 = arith.constant 0 : i32
    %dma_start3A_260 = arith.constant 0 : i32
    %dma_start3A_261 = arith.constant 0 : i32
    %dma_start3A_262 = tpu.memref_slice %arg7[%dma_start3A_259, %dma_start3A_260, %dma_start3A_261] : memref<2048x16x1024xf32, #tpu.memory_space<hbm>> -> memref<2048x16x1024xf32, #tpu.memory_space<hbm>>
    tpu.enqueue_indirect_dma source(%arg12 : memref<2x16x1024xf32, #tpu.memory_space<vmem>>) target(%dma_start3A_262 : memref<2048x16x1024xf32, #tpu.memory_space<hbm>>) offsets(%dma_start3A_258 : memref<2xi32, #tpu.memory_space<vmem>>) semaphore(%arg18 : memref<!tpu.dma_semaphore, #tpu.memory_space<semaphore_mem>>)
    %dma_wait3A_263 = arith.constant 7 : i32
    %dma_wait3A_264 = arith.constant 0 : i32
    %dma_wait3A_265 = tpu.memref_slice %arg8[%dma_wait3A_263, %dma_wait3A_264] : memref<24x2xi32, #tpu.memory_space<vmem>> -> memref<1x2xi32, #tpu.memory_space<vmem>>
    %dma_wait3A_266 = tpu.memref_squeeze %dma_wait3A_265 : memref<1x2xi32, #tpu.memory_space<vmem>> -> memref<2xi32, #tpu.memory_space<vmem>>
    %dma_wait3A_267 = arith.constant 0 : i32
    %dma_wait3A_268 = arith.constant 0 : i32
    %dma_wait3A_269 = arith.constant 0 : i32
    %dma_wait3A_270 = tpu.memref_slice %arg7[%dma_wait3A_267, %dma_wait3A_268, %dma_wait3A_269] : memref<2048x16x1024xf32, #tpu.memory_space<hbm>> -> memref<2048x16x1024xf32, #tpu.memory_space<hbm>>
    tpu.wait_indirect_dma semaphore(%arg18 : memref<!tpu.dma_semaphore, #tpu.memory_space<semaphore_mem>>) src(%arg12 : memref<2x16x1024xf32, #tpu.memory_space<vmem>>) dst(%dma_wait3A_270 : memref<2048x16x1024xf32, #tpu.memory_space<hbm>>)
    %dma_start3A_271 = arith.constant 10 : i32
    %dma_start3A_272 = arith.constant 0 : i32
    %dma_start3A_273 = tpu.memref_slice %arg8[%dma_start3A_271, %dma_start3A_272] : memref<24x2xi32, #tpu.memory_space<vmem>> -> memref<1x2xi32, #tpu.memory_space<vmem>>
    %dma_start3A_274 = tpu.memref_squeeze %dma_start3A_273 : memref<1x2xi32, #tpu.memory_space<vmem>> -> memref<2xi32, #tpu.memory_space<vmem>>
    %dma_start3A_275 = arith.constant 0 : i32
    %dma_start3A_276 = arith.constant 0 : i32
    %dma_start3A_277 = arith.constant 0 : i32
    %dma_start3A_278 = tpu.memref_slice %arg3[%dma_start3A_275, %dma_start3A_276, %dma_start3A_277] : memref<2048x16x1024xf32, #tpu.memory_space<hbm>> -> memref<2048x16x1024xf32, #tpu.memory_space<hbm>>
    tpu.enqueue_indirect_dma source(%dma_start3A_278 : memref<2048x16x1024xf32, #tpu.memory_space<hbm>>) target(%arg12 : memref<2x16x1024xf32, #tpu.memory_space<vmem>>) offsets(%dma_start3A_274 : memref<2xi32, #tpu.memory_space<vmem>>) semaphore(%arg15 : memref<!tpu.dma_semaphore, #tpu.memory_space<semaphore_mem>>)
    %dma_wait3A_279 = arith.constant 8 : i32
    %dma_wait3A_280 = arith.constant 0 : i32
    %dma_wait3A_281 = tpu.memref_slice %arg8[%dma_wait3A_279, %dma_wait3A_280] : memref<24x2xi32, #tpu.memory_space<vmem>> -> memref<1x2xi32, #tpu.memory_space<vmem>>
    %dma_wait3A_282 = tpu.memref_squeeze %dma_wait3A_281 : memref<1x2xi32, #tpu.memory_space<vmem>> -> memref<2xi32, #tpu.memory_space<vmem>>
    %dma_wait3A_283 = arith.constant 0 : i32
    %dma_wait3A_284 = arith.constant 0 : i32
    %dma_wait3A_285 = arith.constant 0 : i32
    %dma_wait3A_286 = tpu.memref_slice %arg3[%dma_wait3A_283, %dma_wait3A_284, %dma_wait3A_285] : memref<2048x16x1024xf32, #tpu.memory_space<hbm>> -> memref<2048x16x1024xf32, #tpu.memory_space<hbm>>
    tpu.wait_indirect_dma semaphore(%arg16 : memref<!tpu.dma_semaphore, #tpu.memory_space<semaphore_mem>>) src(%dma_wait3A_286 : memref<2048x16x1024xf32, #tpu.memory_space<hbm>>) dst(%arg13 : memref<2x16x1024xf32, #tpu.memory_space<vmem>>)
    %dma_start3A_287 = arith.constant 8 : i32
    %dma_start3A_288 = arith.constant 0 : i32
    %dma_start3A_289 = tpu.memref_slice %arg8[%dma_start3A_287, %dma_start3A_288] : memref<24x2xi32, #tpu.memory_space<vmem>> -> memref<1x2xi32, #tpu.memory_space<vmem>>
    %dma_start3A_290 = tpu.memref_squeeze %dma_start3A_289 : memref<1x2xi32, #tpu.memory_space<vmem>> -> memref<2xi32, #tpu.memory_space<vmem>>
    %dma_start3A_291 = arith.constant 0 : i32
    %dma_start3A_292 = arith.constant 0 : i32
    %dma_start3A_293 = arith.constant 0 : i32
    %dma_start3A_294 = tpu.memref_slice %arg7[%dma_start3A_291, %dma_start3A_292, %dma_start3A_293] : memref<2048x16x1024xf32, #tpu.memory_space<hbm>> -> memref<2048x16x1024xf32, #tpu.memory_space<hbm>>
    tpu.enqueue_indirect_dma source(%arg13 : memref<2x16x1024xf32, #tpu.memory_space<vmem>>) target(%dma_start3A_294 : memref<2048x16x1024xf32, #tpu.memory_space<hbm>>) offsets(%dma_start3A_290 : memref<2xi32, #tpu.memory_space<vmem>>) semaphore(%arg19 : memref<!tpu.dma_semaphore, #tpu.memory_space<semaphore_mem>>)
    %dma_wait3A_295 = arith.constant 8 : i32
    %dma_wait3A_296 = arith.constant 0 : i32
    %dma_wait3A_297 = tpu.memref_slice %arg8[%dma_wait3A_295, %dma_wait3A_296] : memref<24x2xi32, #tpu.memory_space<vmem>> -> memref<1x2xi32, #tpu.memory_space<vmem>>
    %dma_wait3A_298 = tpu.memref_squeeze %dma_wait3A_297 : memref<1x2xi32, #tpu.memory_space<vmem>> -> memref<2xi32, #tpu.memory_space<vmem>>
    %dma_wait3A_299 = arith.constant 0 : i32
    %dma_wait3A_300 = arith.constant 0 : i32
    %dma_wait3A_301 = arith.constant 0 : i32
    %dma_wait3A_302 = tpu.memref_slice %arg7[%dma_wait3A_299, %dma_wait3A_300, %dma_wait3A_301] : memref<2048x16x1024xf32, #tpu.memory_space<hbm>> -> memref<2048x16x1024xf32, #tpu.memory_space<hbm>>
    tpu.wait_indirect_dma semaphore(%arg19 : memref<!tpu.dma_semaphore, #tpu.memory_space<semaphore_mem>>) src(%arg13 : memref<2x16x1024xf32, #tpu.memory_space<vmem>>) dst(%dma_wait3A_302 : memref<2048x16x1024xf32, #tpu.memory_space<hbm>>)
    %dma_start3A_303 = arith.constant 11 : i32
    %dma_start3A_304 = arith.constant 0 : i32
    %dma_start3A_305 = tpu.memref_slice %arg8[%dma_start3A_303, %dma_start3A_304] : memref<24x2xi32, #tpu.memory_space<vmem>> -> memref<1x2xi32, #tpu.memory_space<vmem>>
    %dma_start3A_306 = tpu.memref_squeeze %dma_start3A_305 : memref<1x2xi32, #tpu.memory_space<vmem>> -> memref<2xi32, #tpu.memory_space<vmem>>
    %dma_start3A_307 = arith.constant 0 : i32
    %dma_start3A_308 = arith.constant 0 : i32
    %dma_start3A_309 = arith.constant 0 : i32
    %dma_start3A_310 = tpu.memref_slice %arg3[%dma_start3A_307, %dma_start3A_308, %dma_start3A_309] : memref<2048x16x1024xf32, #tpu.memory_space<hbm>> -> memref<2048x16x1024xf32, #tpu.memory_space<hbm>>
    tpu.enqueue_indirect_dma source(%dma_start3A_310 : memref<2048x16x1024xf32, #tpu.memory_space<hbm>>) target(%arg13 : memref<2x16x1024xf32, #tpu.memory_space<vmem>>) offsets(%dma_start3A_306 : memref<2xi32, #tpu.memory_space<vmem>>) semaphore(%arg16 : memref<!tpu.dma_semaphore, #tpu.memory_space<semaphore_mem>>)
    %dma_wait3A_311 = arith.constant 9 : i32
    %dma_wait3A_312 = arith.constant 0 : i32
    %dma_wait3A_313 = tpu.memref_slice %arg8[%dma_wait3A_311, %dma_wait3A_312] : memref<24x2xi32, #tpu.memory_space<vmem>> -> memref<1x2xi32, #tpu.memory_space<vmem>>
    %dma_wait3A_314 = tpu.memref_squeeze %dma_wait3A_313 : memref<1x2xi32, #tpu.memory_space<vmem>> -> memref<2xi32, #tpu.memory_space<vmem>>
    %dma_wait3A_315 = arith.constant 0 : i32
    %dma_wait3A_316 = arith.constant 0 : i32
    %dma_wait3A_317 = arith.constant 0 : i32
    %dma_wait3A_318 = tpu.memref_slice %arg3[%dma_wait3A_315, %dma_wait3A_316, %dma_wait3A_317] : memref<2048x16x1024xf32, #tpu.memory_space<hbm>> -> memref<2048x16x1024xf32, #tpu.memory_space<hbm>>
    tpu.wait_indirect_dma semaphore(%arg14 : memref<!tpu.dma_semaphore, #tpu.memory_space<semaphore_mem>>) src(%dma_wait3A_318 : memref<2048x16x1024xf32, #tpu.memory_space<hbm>>) dst(%arg11 : memref<2x16x1024xf32, #tpu.memory_space<vmem>>)
    %dma_start3A_319 = arith.constant 9 : i32
    %dma_start3A_320 = arith.constant 0 : i32
    %dma_start3A_321 = tpu.memref_slice %arg8[%dma_start3A_319, %dma_start3A_320] : memref<24x2xi32, #tpu.memory_space<vmem>> -> memref<1x2xi32, #tpu.memory_space<vmem>>
    %dma_start3A_322 = tpu.memref_squeeze %dma_start3A_321 : memref<1x2xi32, #tpu.memory_space<vmem>> -> memref<2xi32, #tpu.memory_space<vmem>>
    %dma_start3A_323 = arith.constant 0 : i32
    %dma_start3A_324 = arith.constant 0 : i32
    %dma_start3A_325 = arith.constant 0 : i32
    %dma_start3A_326 = tpu.memref_slice %arg7[%dma_start3A_323, %dma_start3A_324, %dma_start3A_325] : memref<2048x16x1024xf32, #tpu.memory_space<hbm>> -> memref<2048x16x1024xf32, #tpu.memory_space<hbm>>
    tpu.enqueue_indirect_dma source(%arg11 : memref<2x16x1024xf32, #tpu.memory_space<vmem>>) target(%dma_start3A_326 : memref<2048x16x1024xf32, #tpu.memory_space<hbm>>) offsets(%dma_start3A_322 : memref<2xi32, #tpu.memory_space<vmem>>) semaphore(%arg17 : memref<!tpu.dma_semaphore, #tpu.memory_space<semaphore_mem>>)
    %dma_wait3A_327 = arith.constant 9 : i32
    %dma_wait3A_328 = arith.constant 0 : i32
    %dma_wait3A_329 = tpu.memref_slice %arg8[%dma_wait3A_327, %dma_wait3A_328] : memref<24x2xi32, #tpu.memory_space<vmem>> -> memref<1x2xi32, #tpu.memory_space<vmem>>
    %dma_wait3A_330 = tpu.memref_squeeze %dma_wait3A_329 : memref<1x2xi32, #tpu.memory_space<vmem>> -> memref<2xi32, #tpu.memory_space<vmem>>
    %dma_wait3A_331 = arith.constant 0 : i32
    %dma_wait3A_332 = arith.constant 0 : i32
    %dma_wait3A_333 = arith.constant 0 : i32
    %dma_wait3A_334 = tpu.memref_slice %arg7[%dma_wait3A_331, %dma_wait3A_332, %dma_wait3A_333] : memref<2048x16x1024xf32, #tpu.memory_space<hbm>> -> memref<2048x16x1024xf32, #tpu.memory_space<hbm>>
    tpu.wait_indirect_dma semaphore(%arg17 : memref<!tpu.dma_semaphore, #tpu.memory_space<semaphore_mem>>) src(%arg11 : memref<2x16x1024xf32, #tpu.memory_space<vmem>>) dst(%dma_wait3A_334 : memref<2048x16x1024xf32, #tpu.memory_space<hbm>>)
    %dma_start3A_335 = arith.constant 12 : i32
    %dma_start3A_336 = arith.constant 0 : i32
    %dma_start3A_337 = tpu.memref_slice %arg8[%dma_start3A_335, %dma_start3A_336] : memref<24x2xi32, #tpu.memory_space<vmem>> -> memref<1x2xi32, #tpu.memory_space<vmem>>
    %dma_start3A_338 = tpu.memref_squeeze %dma_start3A_337 : memref<1x2xi32, #tpu.memory_space<vmem>> -> memref<2xi32, #tpu.memory_space<vmem>>
    %dma_start3A_339 = arith.constant 0 : i32
    %dma_start3A_340 = arith.constant 0 : i32
    %dma_start3A_341 = arith.constant 0 : i32
    %dma_start3A_342 = tpu.memref_slice %arg3[%dma_start3A_339, %dma_start3A_340, %dma_start3A_341] : memref<2048x16x1024xf32, #tpu.memory_space<hbm>> -> memref<2048x16x1024xf32, #tpu.memory_space<hbm>>
    tpu.enqueue_indirect_dma source(%dma_start3A_342 : memref<2048x16x1024xf32, #tpu.memory_space<hbm>>) target(%arg11 : memref<2x16x1024xf32, #tpu.memory_space<vmem>>) offsets(%dma_start3A_338 : memref<2xi32, #tpu.memory_space<vmem>>) semaphore(%arg14 : memref<!tpu.dma_semaphore, #tpu.memory_space<semaphore_mem>>)
    %dma_wait3A_343 = arith.constant 10 : i32
    %dma_wait3A_344 = arith.constant 0 : i32
    %dma_wait3A_345 = tpu.memref_slice %arg8[%dma_wait3A_343, %dma_wait3A_344] : memref<24x2xi32, #tpu.memory_space<vmem>> -> memref<1x2xi32, #tpu.memory_space<vmem>>
    %dma_wait3A_346 = tpu.memref_squeeze %dma_wait3A_345 : memref<1x2xi32, #tpu.memory_space<vmem>> -> memref<2xi32, #tpu.memory_space<vmem>>
    %dma_wait3A_347 = arith.constant 0 : i32
    %dma_wait3A_348 = arith.constant 0 : i32
    %dma_wait3A_349 = arith.constant 0 : i32
    %dma_wait3A_350 = tpu.memref_slice %arg3[%dma_wait3A_347, %dma_wait3A_348, %dma_wait3A_349] : memref<2048x16x1024xf32, #tpu.memory_space<hbm>> -> memref<2048x16x1024xf32, #tpu.memory_space<hbm>>
    tpu.wait_indirect_dma semaphore(%arg15 : memref<!tpu.dma_semaphore, #tpu.memory_space<semaphore_mem>>) src(%dma_wait3A_350 : memref<2048x16x1024xf32, #tpu.memory_space<hbm>>) dst(%arg12 : memref<2x16x1024xf32, #tpu.memory_space<vmem>>)
    %dma_start3A_351 = arith.constant 10 : i32
    %dma_start3A_352 = arith.constant 0 : i32
    %dma_start3A_353 = tpu.memref_slice %arg8[%dma_start3A_351, %dma_start3A_352] : memref<24x2xi32, #tpu.memory_space<vmem>> -> memref<1x2xi32, #tpu.memory_space<vmem>>
    %dma_start3A_354 = tpu.memref_squeeze %dma_start3A_353 : memref<1x2xi32, #tpu.memory_space<vmem>> -> memref<2xi32, #tpu.memory_space<vmem>>
    %dma_start3A_355 = arith.constant 0 : i32
    %dma_start3A_356 = arith.constant 0 : i32
    %dma_start3A_357 = arith.constant 0 : i32
    %dma_start3A_358 = tpu.memref_slice %arg7[%dma_start3A_355, %dma_start3A_356, %dma_start3A_357] : memref<2048x16x1024xf32, #tpu.memory_space<hbm>> -> memref<2048x16x1024xf32, #tpu.memory_space<hbm>>
    tpu.enqueue_indirect_dma source(%arg12 : memref<2x16x1024xf32, #tpu.memory_space<vmem>>) target(%dma_start3A_358 : memref<2048x16x1024xf32, #tpu.memory_space<hbm>>) offsets(%dma_start3A_354 : memref<2xi32, #tpu.memory_space<vmem>>) semaphore(%arg18 : memref<!tpu.dma_semaphore, #tpu.memory_space<semaphore_mem>>)
    %dma_wait3A_359 = arith.constant 10 : i32
    %dma_wait3A_360 = arith.constant 0 : i32
    %dma_wait3A_361 = tpu.memref_slice %arg8[%dma_wait3A_359, %dma_wait3A_360] : memref<24x2xi32, #tpu.memory_space<vmem>> -> memref<1x2xi32, #tpu.memory_space<vmem>>
    %dma_wait3A_362 = tpu.memref_squeeze %dma_wait3A_361 : memref<1x2xi32, #tpu.memory_space<vmem>> -> memref<2xi32, #tpu.memory_space<vmem>>
    %dma_wait3A_363 = arith.constant 0 : i32
    %dma_wait3A_364 = arith.constant 0 : i32
    %dma_wait3A_365 = arith.constant 0 : i32
    %dma_wait3A_366 = tpu.memref_slice %arg7[%dma_wait3A_363, %dma_wait3A_364, %dma_wait3A_365] : memref<2048x16x1024xf32, #tpu.memory_space<hbm>> -> memref<2048x16x1024xf32, #tpu.memory_space<hbm>>
    tpu.wait_indirect_dma semaphore(%arg18 : memref<!tpu.dma_semaphore, #tpu.memory_space<semaphore_mem>>) src(%arg12 : memref<2x16x1024xf32, #tpu.memory_space<vmem>>) dst(%dma_wait3A_366 : memref<2048x16x1024xf32, #tpu.memory_space<hbm>>)
    %dma_start3A_367 = arith.constant 13 : i32
    %dma_start3A_368 = arith.constant 0 : i32
    %dma_start3A_369 = tpu.memref_slice %arg8[%dma_start3A_367, %dma_start3A_368] : memref<24x2xi32, #tpu.memory_space<vmem>> -> memref<1x2xi32, #tpu.memory_space<vmem>>
    %dma_start3A_370 = tpu.memref_squeeze %dma_start3A_369 : memref<1x2xi32, #tpu.memory_space<vmem>> -> memref<2xi32, #tpu.memory_space<vmem>>
    %dma_start3A_371 = arith.constant 0 : i32
    %dma_start3A_372 = arith.constant 0 : i32
    %dma_start3A_373 = arith.constant 0 : i32
    %dma_start3A_374 = tpu.memref_slice %arg3[%dma_start3A_371, %dma_start3A_372, %dma_start3A_373] : memref<2048x16x1024xf32, #tpu.memory_space<hbm>> -> memref<2048x16x1024xf32, #tpu.memory_space<hbm>>
    tpu.enqueue_indirect_dma source(%dma_start3A_374 : memref<2048x16x1024xf32, #tpu.memory_space<hbm>>) target(%arg12 : memref<2x16x1024xf32, #tpu.memory_space<vmem>>) offsets(%dma_start3A_370 : memref<2xi32, #tpu.memory_space<vmem>>) semaphore(%arg15 : memref<!tpu.dma_semaphore, #tpu.memory_space<semaphore_mem>>)
    %dma_wait3A_375 = arith.constant 11 : i32
    %dma_wait3A_376 = arith.constant 0 : i32
    %dma_wait3A_377 = tpu.memref_slice %arg8[%dma_wait3A_375, %dma_wait3A_376] : memref<24x2xi32, #tpu.memory_space<vmem>> -> memref<1x2xi32, #tpu.memory_space<vmem>>
    %dma_wait3A_378 = tpu.memref_squeeze %dma_wait3A_377 : memref<1x2xi32, #tpu.memory_space<vmem>> -> memref<2xi32, #tpu.memory_space<vmem>>
    %dma_wait3A_379 = arith.constant 0 : i32
    %dma_wait3A_380 = arith.constant 0 : i32
    %dma_wait3A_381 = arith.constant 0 : i32
    %dma_wait3A_382 = tpu.memref_slice %arg3[%dma_wait3A_379, %dma_wait3A_380, %dma_wait3A_381] : memref<2048x16x1024xf32, #tpu.memory_space<hbm>> -> memref<2048x16x1024xf32, #tpu.memory_space<hbm>>
    tpu.wait_indirect_dma semaphore(%arg16 : memref<!tpu.dma_semaphore, #tpu.memory_space<semaphore_mem>>) src(%dma_wait3A_382 : memref<2048x16x1024xf32, #tpu.memory_space<hbm>>) dst(%arg13 : memref<2x16x1024xf32, #tpu.memory_space<vmem>>)
    %dma_start3A_383 = arith.constant 11 : i32
    %dma_start3A_384 = arith.constant 0 : i32
    %dma_start3A_385 = tpu.memref_slice %arg8[%dma_start3A_383, %dma_start3A_384] : memref<24x2xi32, #tpu.memory_space<vmem>> -> memref<1x2xi32, #tpu.memory_space<vmem>>
    %dma_start3A_386 = tpu.memref_squeeze %dma_start3A_385 : memref<1x2xi32, #tpu.memory_space<vmem>> -> memref<2xi32, #tpu.memory_space<vmem>>
    %dma_start3A_387 = arith.constant 0 : i32
    %dma_start3A_388 = arith.constant 0 : i32
    %dma_start3A_389 = arith.constant 0 : i32
    %dma_start3A_390 = tpu.memref_slice %arg7[%dma_start3A_387, %dma_start3A_388, %dma_start3A_389] : memref<2048x16x1024xf32, #tpu.memory_space<hbm>> -> memref<2048x16x1024xf32, #tpu.memory_space<hbm>>
    tpu.enqueue_indirect_dma source(%arg13 : memref<2x16x1024xf32, #tpu.memory_space<vmem>>) target(%dma_start3A_390 : memref<2048x16x1024xf32, #tpu.memory_space<hbm>>) offsets(%dma_start3A_386 : memref<2xi32, #tpu.memory_space<vmem>>) semaphore(%arg19 : memref<!tpu.dma_semaphore, #tpu.memory_space<semaphore_mem>>)
    %dma_wait3A_391 = arith.constant 11 : i32
    %dma_wait3A_392 = arith.constant 0 : i32
    %dma_wait3A_393 = tpu.memref_slice %arg8[%dma_wait3A_391, %dma_wait3A_392] : memref<24x2xi32, #tpu.memory_space<vmem>> -> memref<1x2xi32, #tpu.memory_space<vmem>>
    %dma_wait3A_394 = tpu.memref_squeeze %dma_wait3A_393 : memref<1x2xi32, #tpu.memory_space<vmem>> -> memref<2xi32, #tpu.memory_space<vmem>>
    %dma_wait3A_395 = arith.constant 0 : i32
    %dma_wait3A_396 = arith.constant 0 : i32
    %dma_wait3A_397 = arith.constant 0 : i32
    %dma_wait3A_398 = tpu.memref_slice %arg7[%dma_wait3A_395, %dma_wait3A_396, %dma_wait3A_397] : memref<2048x16x1024xf32, #tpu.memory_space<hbm>> -> memref<2048x16x1024xf32, #tpu.memory_space<hbm>>
    tpu.wait_indirect_dma semaphore(%arg19 : memref<!tpu.dma_semaphore, #tpu.memory_space<semaphore_mem>>) src(%arg13 : memref<2x16x1024xf32, #tpu.memory_space<vmem>>) dst(%dma_wait3A_398 : memref<2048x16x1024xf32, #tpu.memory_space<hbm>>)
    %dma_start3A_399 = arith.constant 14 : i32
    %dma_start3A_400 = arith.constant 0 : i32
    %dma_start3A_401 = tpu.memref_slice %arg8[%dma_start3A_399, %dma_start3A_400] : memref<24x2xi32, #tpu.memory_space<vmem>> -> memref<1x2xi32, #tpu.memory_space<vmem>>
    %dma_start3A_402 = tpu.memref_squeeze %dma_start3A_401 : memref<1x2xi32, #tpu.memory_space<vmem>> -> memref<2xi32, #tpu.memory_space<vmem>>
    %dma_start3A_403 = arith.constant 0 : i32
    %dma_start3A_404 = arith.constant 0 : i32
    %dma_start3A_405 = arith.constant 0 : i32
    %dma_start3A_406 = tpu.memref_slice %arg3[%dma_start3A_403, %dma_start3A_404, %dma_start3A_405] : memref<2048x16x1024xf32, #tpu.memory_space<hbm>> -> memref<2048x16x1024xf32, #tpu.memory_space<hbm>>
    tpu.enqueue_indirect_dma source(%dma_start3A_406 : memref<2048x16x1024xf32, #tpu.memory_space<hbm>>) target(%arg13 : memref<2x16x1024xf32, #tpu.memory_space<vmem>>) offsets(%dma_start3A_402 : memref<2xi32, #tpu.memory_space<vmem>>) semaphore(%arg16 : memref<!tpu.dma_semaphore, #tpu.memory_space<semaphore_mem>>)
    %dma_wait3A_407 = arith.constant 12 : i32
    %dma_wait3A_408 = arith.constant 0 : i32
    %dma_wait3A_409 = tpu.memref_slice %arg8[%dma_wait3A_407, %dma_wait3A_408] : memref<24x2xi32, #tpu.memory_space<vmem>> -> memref<1x2xi32, #tpu.memory_space<vmem>>
    %dma_wait3A_410 = tpu.memref_squeeze %dma_wait3A_409 : memref<1x2xi32, #tpu.memory_space<vmem>> -> memref<2xi32, #tpu.memory_space<vmem>>
    %dma_wait3A_411 = arith.constant 0 : i32
    %dma_wait3A_412 = arith.constant 0 : i32
    %dma_wait3A_413 = arith.constant 0 : i32
    %dma_wait3A_414 = tpu.memref_slice %arg3[%dma_wait3A_411, %dma_wait3A_412, %dma_wait3A_413] : memref<2048x16x1024xf32, #tpu.memory_space<hbm>> -> memref<2048x16x1024xf32, #tpu.memory_space<hbm>>
    tpu.wait_indirect_dma semaphore(%arg14 : memref<!tpu.dma_semaphore, #tpu.memory_space<semaphore_mem>>) src(%dma_wait3A_414 : memref<2048x16x1024xf32, #tpu.memory_space<hbm>>) dst(%arg11 : memref<2x16x1024xf32, #tpu.memory_space<vmem>>)
    %dma_start3A_415 = arith.constant 12 : i32
    %dma_start3A_416 = arith.constant 0 : i32
    %dma_start3A_417 = tpu.memref_slice %arg8[%dma_start3A_415, %dma_start3A_416] : memref<24x2xi32, #tpu.memory_space<vmem>> -> memref<1x2xi32, #tpu.memory_space<vmem>>
    %dma_start3A_418 = tpu.memref_squeeze %dma_start3A_417 : memref<1x2xi32, #tpu.memory_space<vmem>> -> memref<2xi32, #tpu.memory_space<vmem>>
    %dma_start3A_419 = arith.constant 0 : i32
    %dma_start3A_420 = arith.constant 0 : i32
    %dma_start3A_421 = arith.constant 0 : i32
    %dma_start3A_422 = tpu.memref_slice %arg7[%dma_start3A_419, %dma_start3A_420, %dma_start3A_421] : memref<2048x16x1024xf32, #tpu.memory_space<hbm>> -> memref<2048x16x1024xf32, #tpu.memory_space<hbm>>
    tpu.enqueue_indirect_dma source(%arg11 : memref<2x16x1024xf32, #tpu.memory_space<vmem>>) target(%dma_start3A_422 : memref<2048x16x1024xf32, #tpu.memory_space<hbm>>) offsets(%dma_start3A_418 : memref<2xi32, #tpu.memory_space<vmem>>) semaphore(%arg17 : memref<!tpu.dma_semaphore, #tpu.memory_space<semaphore_mem>>)
    %dma_wait3A_423 = arith.constant 12 : i32
    %dma_wait3A_424 = arith.constant 0 : i32
    %dma_wait3A_425 = tpu.memref_slice %arg8[%dma_wait3A_423, %dma_wait3A_424] : memref<24x2xi32, #tpu.memory_space<vmem>> -> memref<1x2xi32, #tpu.memory_space<vmem>>
    %dma_wait3A_426 = tpu.memref_squeeze %dma_wait3A_425 : memref<1x2xi32, #tpu.memory_space<vmem>> -> memref<2xi32, #tpu.memory_space<vmem>>
    %dma_wait3A_427 = arith.constant 0 : i32
    %dma_wait3A_428 = arith.constant 0 : i32
    %dma_wait3A_429 = arith.constant 0 : i32
    %dma_wait3A_430 = tpu.memref_slice %arg7[%dma_wait3A_427, %dma_wait3A_428, %dma_wait3A_429] : memref<2048x16x1024xf32, #tpu.memory_space<hbm>> -> memref<2048x16x1024xf32, #tpu.memory_space<hbm>>
    tpu.wait_indirect_dma semaphore(%arg17 : memref<!tpu.dma_semaphore, #tpu.memory_space<semaphore_mem>>) src(%arg11 : memref<2x16x1024xf32, #tpu.memory_space<vmem>>) dst(%dma_wait3A_430 : memref<2048x16x1024xf32, #tpu.memory_space<hbm>>)
    %dma_start3A_431 = arith.constant 15 : i32
    %dma_start3A_432 = arith.constant 0 : i32
    %dma_start3A_433 = tpu.memref_slice %arg8[%dma_start3A_431, %dma_start3A_432] : memref<24x2xi32, #tpu.memory_space<vmem>> -> memref<1x2xi32, #tpu.memory_space<vmem>>
    %dma_start3A_434 = tpu.memref_squeeze %dma_start3A_433 : memref<1x2xi32, #tpu.memory_space<vmem>> -> memref<2xi32, #tpu.memory_space<vmem>>
    %dma_start3A_435 = arith.constant 0 : i32
    %dma_start3A_436 = arith.constant 0 : i32
    %dma_start3A_437 = arith.constant 0 : i32
    %dma_start3A_438 = tpu.memref_slice %arg3[%dma_start3A_435, %dma_start3A_436, %dma_start3A_437] : memref<2048x16x1024xf32, #tpu.memory_space<hbm>> -> memref<2048x16x1024xf32, #tpu.memory_space<hbm>>
    tpu.enqueue_indirect_dma source(%dma_start3A_438 : memref<2048x16x1024xf32, #tpu.memory_space<hbm>>) target(%arg11 : memref<2x16x1024xf32, #tpu.memory_space<vmem>>) offsets(%dma_start3A_434 : memref<2xi32, #tpu.memory_space<vmem>>) semaphore(%arg14 : memref<!tpu.dma_semaphore, #tpu.memory_space<semaphore_mem>>)
    %dma_wait3A_439 = arith.constant 13 : i32
    %dma_wait3A_440 = arith.constant 0 : i32
    %dma_wait3A_441 = tpu.memref_slice %arg8[%dma_wait3A_439, %dma_wait3A_440] : memref<24x2xi32, #tpu.memory_space<vmem>> -> memref<1x2xi32, #tpu.memory_space<vmem>>
    %dma_wait3A_442 = tpu.memref_squeeze %dma_wait3A_441 : memref<1x2xi32, #tpu.memory_space<vmem>> -> memref<2xi32, #tpu.memory_space<vmem>>
    %dma_wait3A_443 = arith.constant 0 : i32
    %dma_wait3A_444 = arith.constant 0 : i32
    %dma_wait3A_445 = arith.constant 0 : i32
    %dma_wait3A_446 = tpu.memref_slice %arg3[%dma_wait3A_443, %dma_wait3A_444, %dma_wait3A_445] : memref<2048x16x1024xf32, #tpu.memory_space<hbm>> -> memref<2048x16x1024xf32, #tpu.memory_space<hbm>>
    tpu.wait_indirect_dma semaphore(%arg15 : memref<!tpu.dma_semaphore, #tpu.memory_space<semaphore_mem>>) src(%dma_wait3A_446 : memref<2048x16x1024xf32, #tpu.memory_space<hbm>>) dst(%arg12 : memref<2x16x1024xf32, #tpu.memory_space<vmem>>)
    %dma_start3A_447 = arith.constant 13 : i32
    %dma_start3A_448 = arith.constant 0 : i32
    %dma_start3A_449 = tpu.memref_slice %arg8[%dma_start3A_447, %dma_start3A_448] : memref<24x2xi32, #tpu.memory_space<vmem>> -> memref<1x2xi32, #tpu.memory_space<vmem>>
    %dma_start3A_450 = tpu.memref_squeeze %dma_start3A_449 : memref<1x2xi32, #tpu.memory_space<vmem>> -> memref<2xi32, #tpu.memory_space<vmem>>
    %dma_start3A_451 = arith.constant 0 : i32
    %dma_start3A_452 = arith.constant 0 : i32
    %dma_start3A_453 = arith.constant 0 : i32
    %dma_start3A_454 = tpu.memref_slice %arg7[%dma_start3A_451, %dma_start3A_452, %dma_start3A_453] : memref<2048x16x1024xf32, #tpu.memory_space<hbm>> -> memref<2048x16x1024xf32, #tpu.memory_space<hbm>>
    tpu.enqueue_indirect_dma source(%arg12 : memref<2x16x1024xf32, #tpu.memory_space<vmem>>) target(%dma_start3A_454 : memref<2048x16x1024xf32, #tpu.memory_space<hbm>>) offsets(%dma_start3A_450 : memref<2xi32, #tpu.memory_space<vmem>>) semaphore(%arg18 : memref<!tpu.dma_semaphore, #tpu.memory_space<semaphore_mem>>)
    %dma_wait3A_455 = arith.constant 13 : i32
    %dma_wait3A_456 = arith.constant 0 : i32
    %dma_wait3A_457 = tpu.memref_slice %arg8[%dma_wait3A_455, %dma_wait3A_456] : memref<24x2xi32, #tpu.memory_space<vmem>> -> memref<1x2xi32, #tpu.memory_space<vmem>>
    %dma_wait3A_458 = tpu.memref_squeeze %dma_wait3A_457 : memref<1x2xi32, #tpu.memory_space<vmem>> -> memref<2xi32, #tpu.memory_space<vmem>>
    %dma_wait3A_459 = arith.constant 0 : i32
    %dma_wait3A_460 = arith.constant 0 : i32
    %dma_wait3A_461 = arith.constant 0 : i32
    %dma_wait3A_462 = tpu.memref_slice %arg7[%dma_wait3A_459, %dma_wait3A_460, %dma_wait3A_461] : memref<2048x16x1024xf32, #tpu.memory_space<hbm>> -> memref<2048x16x1024xf32, #tpu.memory_space<hbm>>
    tpu.wait_indirect_dma semaphore(%arg18 : memref<!tpu.dma_semaphore, #tpu.memory_space<semaphore_mem>>) src(%arg12 : memref<2x16x1024xf32, #tpu.memory_space<vmem>>) dst(%dma_wait3A_462 : memref<2048x16x1024xf32, #tpu.memory_space<hbm>>)
    %dma_start3A_463 = arith.constant 16 : i32
    %dma_start3A_464 = arith.constant 0 : i32
    %dma_start3A_465 = tpu.memref_slice %arg8[%dma_start3A_463, %dma_start3A_464] : memref<24x2xi32, #tpu.memory_space<vmem>> -> memref<1x2xi32, #tpu.memory_space<vmem>>
    %dma_start3A_466 = tpu.memref_squeeze %dma_start3A_465 : memref<1x2xi32, #tpu.memory_space<vmem>> -> memref<2xi32, #tpu.memory_space<vmem>>
    %dma_start3A_467 = arith.constant 0 : i32
    %dma_start3A_468 = arith.constant 0 : i32
    %dma_start3A_469 = arith.constant 0 : i32
    %dma_start3A_470 = tpu.memref_slice %arg3[%dma_start3A_467, %dma_start3A_468, %dma_start3A_469] : memref<2048x16x1024xf32, #tpu.memory_space<hbm>> -> memref<2048x16x1024xf32, #tpu.memory_space<hbm>>
    tpu.enqueue_indirect_dma source(%dma_start3A_470 : memref<2048x16x1024xf32, #tpu.memory_space<hbm>>) target(%arg12 : memref<2x16x1024xf32, #tpu.memory_space<vmem>>) offsets(%dma_start3A_466 : memref<2xi32, #tpu.memory_space<vmem>>) semaphore(%arg15 : memref<!tpu.dma_semaphore, #tpu.memory_space<semaphore_mem>>)
    %dma_wait3A_471 = arith.constant 14 : i32
    %dma_wait3A_472 = arith.constant 0 : i32
    %dma_wait3A_473 = tpu.memref_slice %arg8[%dma_wait3A_471, %dma_wait3A_472] : memref<24x2xi32, #tpu.memory_space<vmem>> -> memref<1x2xi32, #tpu.memory_space<vmem>>
    %dma_wait3A_474 = tpu.memref_squeeze %dma_wait3A_473 : memref<1x2xi32, #tpu.memory_space<vmem>> -> memref<2xi32, #tpu.memory_space<vmem>>
    %dma_wait3A_475 = arith.constant 0 : i32
    %dma_wait3A_476 = arith.constant 0 : i32
    %dma_wait3A_477 = arith.constant 0 : i32
    %dma_wait3A_478 = tpu.memref_slice %arg3[%dma_wait3A_475, %dma_wait3A_476, %dma_wait3A_477] : memref<2048x16x1024xf32, #tpu.memory_space<hbm>> -> memref<2048x16x1024xf32, #tpu.memory_space<hbm>>
    tpu.wait_indirect_dma semaphore(%arg16 : memref<!tpu.dma_semaphore, #tpu.memory_space<semaphore_mem>>) src(%dma_wait3A_478 : memref<2048x16x1024xf32, #tpu.memory_space<hbm>>) dst(%arg13 : memref<2x16x1024xf32, #tpu.memory_space<vmem>>)
    %dma_start3A_479 = arith.constant 14 : i32
    %dma_start3A_480 = arith.constant 0 : i32
    %dma_start3A_481 = tpu.memref_slice %arg8[%dma_start3A_479, %dma_start3A_480] : memref<24x2xi32, #tpu.memory_space<vmem>> -> memref<1x2xi32, #tpu.memory_space<vmem>>
    %dma_start3A_482 = tpu.memref_squeeze %dma_start3A_481 : memref<1x2xi32, #tpu.memory_space<vmem>> -> memref<2xi32, #tpu.memory_space<vmem>>
    %dma_start3A_483 = arith.constant 0 : i32
    %dma_start3A_484 = arith.constant 0 : i32
    %dma_start3A_485 = arith.constant 0 : i32
    %dma_start3A_486 = tpu.memref_slice %arg7[%dma_start3A_483, %dma_start3A_484, %dma_start3A_485] : memref<2048x16x1024xf32, #tpu.memory_space<hbm>> -> memref<2048x16x1024xf32, #tpu.memory_space<hbm>>
    tpu.enqueue_indirect_dma source(%arg13 : memref<2x16x1024xf32, #tpu.memory_space<vmem>>) target(%dma_start3A_486 : memref<2048x16x1024xf32, #tpu.memory_space<hbm>>) offsets(%dma_start3A_482 : memref<2xi32, #tpu.memory_space<vmem>>) semaphore(%arg19 : memref<!tpu.dma_semaphore, #tpu.memory_space<semaphore_mem>>)
    %dma_wait3A_487 = arith.constant 14 : i32
    %dma_wait3A_488 = arith.constant 0 : i32
    %dma_wait3A_489 = tpu.memref_slice %arg8[%dma_wait3A_487, %dma_wait3A_488] : memref<24x2xi32, #tpu.memory_space<vmem>> -> memref<1x2xi32, #tpu.memory_space<vmem>>
    %dma_wait3A_490 = tpu.memref_squeeze %dma_wait3A_489 : memref<1x2xi32, #tpu.memory_space<vmem>> -> memref<2xi32, #tpu.memory_space<vmem>>
    %dma_wait3A_491 = arith.constant 0 : i32
    %dma_wait3A_492 = arith.constant 0 : i32
    %dma_wait3A_493 = arith.constant 0 : i32
    %dma_wait3A_494 = tpu.memref_slice %arg7[%dma_wait3A_491, %dma_wait3A_492, %dma_wait3A_493] : memref<2048x16x1024xf32, #tpu.memory_space<hbm>> -> memref<2048x16x1024xf32, #tpu.memory_space<hbm>>
    tpu.wait_indirect_dma semaphore(%arg19 : memref<!tpu.dma_semaphore, #tpu.memory_space<semaphore_mem>>) src(%arg13 : memref<2x16x1024xf32, #tpu.memory_space<vmem>>) dst(%dma_wait3A_494 : memref<2048x16x1024xf32, #tpu.memory_space<hbm>>)
    %dma_start3A_495 = arith.constant 17 : i32
    %dma_start3A_496 = arith.constant 0 : i32
    %dma_start3A_497 = tpu.memref_slice %arg8[%dma_start3A_495, %dma_start3A_496] : memref<24x2xi32, #tpu.memory_space<vmem>> -> memref<1x2xi32, #tpu.memory_space<vmem>>
    %dma_start3A_498 = tpu.memref_squeeze %dma_start3A_497 : memref<1x2xi32, #tpu.memory_space<vmem>> -> memref<2xi32, #tpu.memory_space<vmem>>
    %dma_start3A_499 = arith.constant 0 : i32
    %dma_start3A_500 = arith.constant 0 : i32
    %dma_start3A_501 = arith.constant 0 : i32
    %dma_start3A_502 = tpu.memref_slice %arg3[%dma_start3A_499, %dma_start3A_500, %dma_start3A_501] : memref<2048x16x1024xf32, #tpu.memory_space<hbm>> -> memref<2048x16x1024xf32, #tpu.memory_space<hbm>>
    tpu.enqueue_indirect_dma source(%dma_start3A_502 : memref<2048x16x1024xf32, #tpu.memory_space<hbm>>) target(%arg13 : memref<2x16x1024xf32, #tpu.memory_space<vmem>>) offsets(%dma_start3A_498 : memref<2xi32, #tpu.memory_space<vmem>>) semaphore(%arg16 : memref<!tpu.dma_semaphore, #tpu.memory_space<semaphore_mem>>)
    %dma_wait3A_503 = arith.constant 15 : i32
    %dma_wait3A_504 = arith.constant 0 : i32
    %dma_wait3A_505 = tpu.memref_slice %arg8[%dma_wait3A_503, %dma_wait3A_504] : memref<24x2xi32, #tpu.memory_space<vmem>> -> memref<1x2xi32, #tpu.memory_space<vmem>>
    %dma_wait3A_506 = tpu.memref_squeeze %dma_wait3A_505 : memref<1x2xi32, #tpu.memory_space<vmem>> -> memref<2xi32, #tpu.memory_space<vmem>>
    %dma_wait3A_507 = arith.constant 0 : i32
    %dma_wait3A_508 = arith.constant 0 : i32
    %dma_wait3A_509 = arith.constant 0 : i32
    %dma_wait3A_510 = tpu.memref_slice %arg3[%dma_wait3A_507, %dma_wait3A_508, %dma_wait3A_509] : memref<2048x16x1024xf32, #tpu.memory_space<hbm>> -> memref<2048x16x1024xf32, #tpu.memory_space<hbm>>
    tpu.wait_indirect_dma semaphore(%arg14 : memref<!tpu.dma_semaphore, #tpu.memory_space<semaphore_mem>>) src(%dma_wait3A_510 : memref<2048x16x1024xf32, #tpu.memory_space<hbm>>) dst(%arg11 : memref<2x16x1024xf32, #tpu.memory_space<vmem>>)
    %dma_start3A_511 = arith.constant 15 : i32
    %dma_start3A_512 = arith.constant 0 : i32
    %dma_start3A_513 = tpu.memref_slice %arg8[%dma_start3A_511, %dma_start3A_512] : memref<24x2xi32, #tpu.memory_space<vmem>> -> memref<1x2xi32, #tpu.memory_space<vmem>>
    %dma_start3A_514 = tpu.memref_squeeze %dma_start3A_513 : memref<1x2xi32, #tpu.memory_space<vmem>> -> memref<2xi32, #tpu.memory_space<vmem>>
    %dma_start3A_515 = arith.constant 0 : i32
    %dma_start3A_516 = arith.constant 0 : i32
    %dma_start3A_517 = arith.constant 0 : i32
    %dma_start3A_518 = tpu.memref_slice %arg7[%dma_start3A_515, %dma_start3A_516, %dma_start3A_517] : memref<2048x16x1024xf32, #tpu.memory_space<hbm>> -> memref<2048x16x1024xf32, #tpu.memory_space<hbm>>
    tpu.enqueue_indirect_dma source(%arg11 : memref<2x16x1024xf32, #tpu.memory_space<vmem>>) target(%dma_start3A_518 : memref<2048x16x1024xf32, #tpu.memory_space<hbm>>) offsets(%dma_start3A_514 : memref<2xi32, #tpu.memory_space<vmem>>) semaphore(%arg17 : memref<!tpu.dma_semaphore, #tpu.memory_space<semaphore_mem>>)
    %dma_wait3A_519 = arith.constant 15 : i32
    %dma_wait3A_520 = arith.constant 0 : i32
    %dma_wait3A_521 = tpu.memref_slice %arg8[%dma_wait3A_519, %dma_wait3A_520] : memref<24x2xi32, #tpu.memory_space<vmem>> -> memref<1x2xi32, #tpu.memory_space<vmem>>
    %dma_wait3A_522 = tpu.memref_squeeze %dma_wait3A_521 : memref<1x2xi32, #tpu.memory_space<vmem>> -> memref<2xi32, #tpu.memory_space<vmem>>
    %dma_wait3A_523 = arith.constant 0 : i32
    %dma_wait3A_524 = arith.constant 0 : i32
    %dma_wait3A_525 = arith.constant 0 : i32
    %dma_wait3A_526 = tpu.memref_slice %arg7[%dma_wait3A_523, %dma_wait3A_524, %dma_wait3A_525] : memref<2048x16x1024xf32, #tpu.memory_space<hbm>> -> memref<2048x16x1024xf32, #tpu.memory_space<hbm>>
    tpu.wait_indirect_dma semaphore(%arg17 : memref<!tpu.dma_semaphore, #tpu.memory_space<semaphore_mem>>) src(%arg11 : memref<2x16x1024xf32, #tpu.memory_space<vmem>>) dst(%dma_wait3A_526 : memref<2048x16x1024xf32, #tpu.memory_space<hbm>>)
    %dma_start3A_527 = arith.constant 18 : i32
    %dma_start3A_528 = arith.constant 0 : i32
    %dma_start3A_529 = tpu.memref_slice %arg8[%dma_start3A_527, %dma_start3A_528] : memref<24x2xi32, #tpu.memory_space<vmem>> -> memref<1x2xi32, #tpu.memory_space<vmem>>
    %dma_start3A_530 = tpu.memref_squeeze %dma_start3A_529 : memref<1x2xi32, #tpu.memory_space<vmem>> -> memref<2xi32, #tpu.memory_space<vmem>>
    %dma_start3A_531 = arith.constant 0 : i32
    %dma_start3A_532 = arith.constant 0 : i32
    %dma_start3A_533 = arith.constant 0 : i32
    %dma_start3A_534 = tpu.memref_slice %arg3[%dma_start3A_531, %dma_start3A_532, %dma_start3A_533] : memref<2048x16x1024xf32, #tpu.memory_space<hbm>> -> memref<2048x16x1024xf32, #tpu.memory_space<hbm>>
    tpu.enqueue_indirect_dma source(%dma_start3A_534 : memref<2048x16x1024xf32, #tpu.memory_space<hbm>>) target(%arg11 : memref<2x16x1024xf32, #tpu.memory_space<vmem>>) offsets(%dma_start3A_530 : memref<2xi32, #tpu.memory_space<vmem>>) semaphore(%arg14 : memref<!tpu.dma_semaphore, #tpu.memory_space<semaphore_mem>>)
    %dma_wait3A_535 = arith.constant 16 : i32
    %dma_wait3A_536 = arith.constant 0 : i32
    %dma_wait3A_537 = tpu.memref_slice %arg8[%dma_wait3A_535, %dma_wait3A_536] : memref<24x2xi32, #tpu.memory_space<vmem>> -> memref<1x2xi32, #tpu.memory_space<vmem>>
    %dma_wait3A_538 = tpu.memref_squeeze %dma_wait3A_537 : memref<1x2xi32, #tpu.memory_space<vmem>> -> memref<2xi32, #tpu.memory_space<vmem>>
    %dma_wait3A_539 = arith.constant 0 : i32
    %dma_wait3A_540 = arith.constant 0 : i32
    %dma_wait3A_541 = arith.constant 0 : i32
    %dma_wait3A_542 = tpu.memref_slice %arg3[%dma_wait3A_539, %dma_wait3A_540, %dma_wait3A_541] : memref<2048x16x1024xf32, #tpu.memory_space<hbm>> -> memref<2048x16x1024xf32, #tpu.memory_space<hbm>>
    tpu.wait_indirect_dma semaphore(%arg15 : memref<!tpu.dma_semaphore, #tpu.memory_space<semaphore_mem>>) src(%dma_wait3A_542 : memref<2048x16x1024xf32, #tpu.memory_space<hbm>>) dst(%arg12 : memref<2x16x1024xf32, #tpu.memory_space<vmem>>)
    %dma_start3A_543 = arith.constant 16 : i32
    %dma_start3A_544 = arith.constant 0 : i32
    %dma_start3A_545 = tpu.memref_slice %arg8[%dma_start3A_543, %dma_start3A_544] : memref<24x2xi32, #tpu.memory_space<vmem>> -> memref<1x2xi32, #tpu.memory_space<vmem>>
    %dma_start3A_546 = tpu.memref_squeeze %dma_start3A_545 : memref<1x2xi32, #tpu.memory_space<vmem>> -> memref<2xi32, #tpu.memory_space<vmem>>
    %dma_start3A_547 = arith.constant 0 : i32
    %dma_start3A_548 = arith.constant 0 : i32
    %dma_start3A_549 = arith.constant 0 : i32
    %dma_start3A_550 = tpu.memref_slice %arg7[%dma_start3A_547, %dma_start3A_548, %dma_start3A_549] : memref<2048x16x1024xf32, #tpu.memory_space<hbm>> -> memref<2048x16x1024xf32, #tpu.memory_space<hbm>>
    tpu.enqueue_indirect_dma source(%arg12 : memref<2x16x1024xf32, #tpu.memory_space<vmem>>) target(%dma_start3A_550 : memref<2048x16x1024xf32, #tpu.memory_space<hbm>>) offsets(%dma_start3A_546 : memref<2xi32, #tpu.memory_space<vmem>>) semaphore(%arg18 : memref<!tpu.dma_semaphore, #tpu.memory_space<semaphore_mem>>)
    %dma_wait3A_551 = arith.constant 16 : i32
    %dma_wait3A_552 = arith.constant 0 : i32
    %dma_wait3A_553 = tpu.memref_slice %arg8[%dma_wait3A_551, %dma_wait3A_552] : memref<24x2xi32, #tpu.memory_space<vmem>> -> memref<1x2xi32, #tpu.memory_space<vmem>>
    %dma_wait3A_554 = tpu.memref_squeeze %dma_wait3A_553 : memref<1x2xi32, #tpu.memory_space<vmem>> -> memref<2xi32, #tpu.memory_space<vmem>>
    %dma_wait3A_555 = arith.constant 0 : i32
    %dma_wait3A_556 = arith.constant 0 : i32
    %dma_wait3A_557 = arith.constant 0 : i32
    %dma_wait3A_558 = tpu.memref_slice %arg7[%dma_wait3A_555, %dma_wait3A_556, %dma_wait3A_557] : memref<2048x16x1024xf32, #tpu.memory_space<hbm>> -> memref<2048x16x1024xf32, #tpu.memory_space<hbm>>
    tpu.wait_indirect_dma semaphore(%arg18 : memref<!tpu.dma_semaphore, #tpu.memory_space<semaphore_mem>>) src(%arg12 : memref<2x16x1024xf32, #tpu.memory_space<vmem>>) dst(%dma_wait3A_558 : memref<2048x16x1024xf32, #tpu.memory_space<hbm>>)
    %dma_start3A_559 = arith.constant 19 : i32
    %dma_start3A_560 = arith.constant 0 : i32
    %dma_start3A_561 = tpu.memref_slice %arg8[%dma_start3A_559, %dma_start3A_560] : memref<24x2xi32, #tpu.memory_space<vmem>> -> memref<1x2xi32, #tpu.memory_space<vmem>>
    %dma_start3A_562 = tpu.memref_squeeze %dma_start3A_561 : memref<1x2xi32, #tpu.memory_space<vmem>> -> memref<2xi32, #tpu.memory_space<vmem>>
    %dma_start3A_563 = arith.constant 0 : i32
    %dma_start3A_564 = arith.constant 0 : i32
    %dma_start3A_565 = arith.constant 0 : i32
    %dma_start3A_566 = tpu.memref_slice %arg3[%dma_start3A_563, %dma_start3A_564, %dma_start3A_565] : memref<2048x16x1024xf32, #tpu.memory_space<hbm>> -> memref<2048x16x1024xf32, #tpu.memory_space<hbm>>
    tpu.enqueue_indirect_dma source(%dma_start3A_566 : memref<2048x16x1024xf32, #tpu.memory_space<hbm>>) target(%arg12 : memref<2x16x1024xf32, #tpu.memory_space<vmem>>) offsets(%dma_start3A_562 : memref<2xi32, #tpu.memory_space<vmem>>) semaphore(%arg15 : memref<!tpu.dma_semaphore, #tpu.memory_space<semaphore_mem>>)
    %dma_wait3A_567 = arith.constant 17 : i32
    %dma_wait3A_568 = arith.constant 0 : i32
    %dma_wait3A_569 = tpu.memref_slice %arg8[%dma_wait3A_567, %dma_wait3A_568] : memref<24x2xi32, #tpu.memory_space<vmem>> -> memref<1x2xi32, #tpu.memory_space<vmem>>
    %dma_wait3A_570 = tpu.memref_squeeze %dma_wait3A_569 : memref<1x2xi32, #tpu.memory_space<vmem>> -> memref<2xi32, #tpu.memory_space<vmem>>
    %dma_wait3A_571 = arith.constant 0 : i32
    %dma_wait3A_572 = arith.constant 0 : i32
    %dma_wait3A_573 = arith.constant 0 : i32
    %dma_wait3A_574 = tpu.memref_slice %arg3[%dma_wait3A_571, %dma_wait3A_572, %dma_wait3A_573] : memref<2048x16x1024xf32, #tpu.memory_space<hbm>> -> memref<2048x16x1024xf32, #tpu.memory_space<hbm>>
    tpu.wait_indirect_dma semaphore(%arg16 : memref<!tpu.dma_semaphore, #tpu.memory_space<semaphore_mem>>) src(%dma_wait3A_574 : memref<2048x16x1024xf32, #tpu.memory_space<hbm>>) dst(%arg13 : memref<2x16x1024xf32, #tpu.memory_space<vmem>>)
    %dma_start3A_575 = arith.constant 17 : i32
    %dma_start3A_576 = arith.constant 0 : i32
    %dma_start3A_577 = tpu.memref_slice %arg8[%dma_start3A_575, %dma_start3A_576] : memref<24x2xi32, #tpu.memory_space<vmem>> -> memref<1x2xi32, #tpu.memory_space<vmem>>
    %dma_start3A_578 = tpu.memref_squeeze %dma_start3A_577 : memref<1x2xi32, #tpu.memory_space<vmem>> -> memref<2xi32, #tpu.memory_space<vmem>>
    %dma_start3A_579 = arith.constant 0 : i32
    %dma_start3A_580 = arith.constant 0 : i32
    %dma_start3A_581 = arith.constant 0 : i32
    %dma_start3A_582 = tpu.memref_slice %arg7[%dma_start3A_579, %dma_start3A_580, %dma_start3A_581] : memref<2048x16x1024xf32, #tpu.memory_space<hbm>> -> memref<2048x16x1024xf32, #tpu.memory_space<hbm>>
    tpu.enqueue_indirect_dma source(%arg13 : memref<2x16x1024xf32, #tpu.memory_space<vmem>>) target(%dma_start3A_582 : memref<2048x16x1024xf32, #tpu.memory_space<hbm>>) offsets(%dma_start3A_578 : memref<2xi32, #tpu.memory_space<vmem>>) semaphore(%arg19 : memref<!tpu.dma_semaphore, #tpu.memory_space<semaphore_mem>>)
    %dma_wait3A_583 = arith.constant 17 : i32
    %dma_wait3A_584 = arith.constant 0 : i32
    %dma_wait3A_585 = tpu.memref_slice %arg8[%dma_wait3A_583, %dma_wait3A_584] : memref<24x2xi32, #tpu.memory_space<vmem>> -> memref<1x2xi32, #tpu.memory_space<vmem>>
    %dma_wait3A_586 = tpu.memref_squeeze %dma_wait3A_585 : memref<1x2xi32, #tpu.memory_space<vmem>> -> memref<2xi32, #tpu.memory_space<vmem>>
    %dma_wait3A_587 = arith.constant 0 : i32
    %dma_wait3A_588 = arith.constant 0 : i32
    %dma_wait3A_589 = arith.constant 0 : i32
    %dma_wait3A_590 = tpu.memref_slice %arg7[%dma_wait3A_587, %dma_wait3A_588, %dma_wait3A_589] : memref<2048x16x1024xf32, #tpu.memory_space<hbm>> -> memref<2048x16x1024xf32, #tpu.memory_space<hbm>>
    tpu.wait_indirect_dma semaphore(%arg19 : memref<!tpu.dma_semaphore, #tpu.memory_space<semaphore_mem>>) src(%arg13 : memref<2x16x1024xf32, #tpu.memory_space<vmem>>) dst(%dma_wait3A_590 : memref<2048x16x1024xf32, #tpu.memory_space<hbm>>)
    %dma_start3A_591 = arith.constant 20 : i32
    %dma_start3A_592 = arith.constant 0 : i32
    %dma_start3A_593 = tpu.memref_slice %arg8[%dma_start3A_591, %dma_start3A_592] : memref<24x2xi32, #tpu.memory_space<vmem>> -> memref<1x2xi32, #tpu.memory_space<vmem>>
    %dma_start3A_594 = tpu.memref_squeeze %dma_start3A_593 : memref<1x2xi32, #tpu.memory_space<vmem>> -> memref<2xi32, #tpu.memory_space<vmem>>
    %dma_start3A_595 = arith.constant 0 : i32
    %dma_start3A_596 = arith.constant 0 : i32
    %dma_start3A_597 = arith.constant 0 : i32
    %dma_start3A_598 = tpu.memref_slice %arg3[%dma_start3A_595, %dma_start3A_596, %dma_start3A_597] : memref<2048x16x1024xf32, #tpu.memory_space<hbm>> -> memref<2048x16x1024xf32, #tpu.memory_space<hbm>>
    tpu.enqueue_indirect_dma source(%dma_start3A_598 : memref<2048x16x1024xf32, #tpu.memory_space<hbm>>) target(%arg13 : memref<2x16x1024xf32, #tpu.memory_space<vmem>>) offsets(%dma_start3A_594 : memref<2xi32, #tpu.memory_space<vmem>>) semaphore(%arg16 : memref<!tpu.dma_semaphore, #tpu.memory_space<semaphore_mem>>)
    %dma_wait3A_599 = arith.constant 18 : i32
    %dma_wait3A_600 = arith.constant 0 : i32
    %dma_wait3A_601 = tpu.memref_slice %arg8[%dma_wait3A_599, %dma_wait3A_600] : memref<24x2xi32, #tpu.memory_space<vmem>> -> memref<1x2xi32, #tpu.memory_space<vmem>>
    %dma_wait3A_602 = tpu.memref_squeeze %dma_wait3A_601 : memref<1x2xi32, #tpu.memory_space<vmem>> -> memref<2xi32, #tpu.memory_space<vmem>>
    %dma_wait3A_603 = arith.constant 0 : i32
    %dma_wait3A_604 = arith.constant 0 : i32
    %dma_wait3A_605 = arith.constant 0 : i32
    %dma_wait3A_606 = tpu.memref_slice %arg3[%dma_wait3A_603, %dma_wait3A_604, %dma_wait3A_605] : memref<2048x16x1024xf32, #tpu.memory_space<hbm>> -> memref<2048x16x1024xf32, #tpu.memory_space<hbm>>
    tpu.wait_indirect_dma semaphore(%arg14 : memref<!tpu.dma_semaphore, #tpu.memory_space<semaphore_mem>>) src(%dma_wait3A_606 : memref<2048x16x1024xf32, #tpu.memory_space<hbm>>) dst(%arg11 : memref<2x16x1024xf32, #tpu.memory_space<vmem>>)
    %dma_start3A_607 = arith.constant 18 : i32
    %dma_start3A_608 = arith.constant 0 : i32
    %dma_start3A_609 = tpu.memref_slice %arg8[%dma_start3A_607, %dma_start3A_608] : memref<24x2xi32, #tpu.memory_space<vmem>> -> memref<1x2xi32, #tpu.memory_space<vmem>>
    %dma_start3A_610 = tpu.memref_squeeze %dma_start3A_609 : memref<1x2xi32, #tpu.memory_space<vmem>> -> memref<2xi32, #tpu.memory_space<vmem>>
    %dma_start3A_611 = arith.constant 0 : i32
    %dma_start3A_612 = arith.constant 0 : i32
    %dma_start3A_613 = arith.constant 0 : i32
    %dma_start3A_614 = tpu.memref_slice %arg7[%dma_start3A_611, %dma_start3A_612, %dma_start3A_613] : memref<2048x16x1024xf32, #tpu.memory_space<hbm>> -> memref<2048x16x1024xf32, #tpu.memory_space<hbm>>
    tpu.enqueue_indirect_dma source(%arg11 : memref<2x16x1024xf32, #tpu.memory_space<vmem>>) target(%dma_start3A_614 : memref<2048x16x1024xf32, #tpu.memory_space<hbm>>) offsets(%dma_start3A_610 : memref<2xi32, #tpu.memory_space<vmem>>) semaphore(%arg17 : memref<!tpu.dma_semaphore, #tpu.memory_space<semaphore_mem>>)
    %dma_wait3A_615 = arith.constant 18 : i32
    %dma_wait3A_616 = arith.constant 0 : i32
    %dma_wait3A_617 = tpu.memref_slice %arg8[%dma_wait3A_615, %dma_wait3A_616] : memref<24x2xi32, #tpu.memory_space<vmem>> -> memref<1x2xi32, #tpu.memory_space<vmem>>
    %dma_wait3A_618 = tpu.memref_squeeze %dma_wait3A_617 : memref<1x2xi32, #tpu.memory_space<vmem>> -> memref<2xi32, #tpu.memory_space<vmem>>
    %dma_wait3A_619 = arith.constant 0 : i32
    %dma_wait3A_620 = arith.constant 0 : i32
    %dma_wait3A_621 = arith.constant 0 : i32
    %dma_wait3A_622 = tpu.memref_slice %arg7[%dma_wait3A_619, %dma_wait3A_620, %dma_wait3A_621] : memref<2048x16x1024xf32, #tpu.memory_space<hbm>> -> memref<2048x16x1024xf32, #tpu.memory_space<hbm>>
    tpu.wait_indirect_dma semaphore(%arg17 : memref<!tpu.dma_semaphore, #tpu.memory_space<semaphore_mem>>) src(%arg11 : memref<2x16x1024xf32, #tpu.memory_space<vmem>>) dst(%dma_wait3A_622 : memref<2048x16x1024xf32, #tpu.memory_space<hbm>>)
    %dma_start3A_623 = arith.constant 21 : i32
    %dma_start3A_624 = arith.constant 0 : i32
    %dma_start3A_625 = tpu.memref_slice %arg8[%dma_start3A_623, %dma_start3A_624] : memref<24x2xi32, #tpu.memory_space<vmem>> -> memref<1x2xi32, #tpu.memory_space<vmem>>
    %dma_start3A_626 = tpu.memref_squeeze %dma_start3A_625 : memref<1x2xi32, #tpu.memory_space<vmem>> -> memref<2xi32, #tpu.memory_space<vmem>>
    %dma_start3A_627 = arith.constant 0 : i32
    %dma_start3A_628 = arith.constant 0 : i32
    %dma_start3A_629 = arith.constant 0 : i32
    %dma_start3A_630 = tpu.memref_slice %arg3[%dma_start3A_627, %dma_start3A_628, %dma_start3A_629] : memref<2048x16x1024xf32, #tpu.memory_space<hbm>> -> memref<2048x16x1024xf32, #tpu.memory_space<hbm>>
    tpu.enqueue_indirect_dma source(%dma_start3A_630 : memref<2048x16x1024xf32, #tpu.memory_space<hbm>>) target(%arg11 : memref<2x16x1024xf32, #tpu.memory_space<vmem>>) offsets(%dma_start3A_626 : memref<2xi32, #tpu.memory_space<vmem>>) semaphore(%arg14 : memref<!tpu.dma_semaphore, #tpu.memory_space<semaphore_mem>>)
    %dma_wait3A_631 = arith.constant 19 : i32
    %dma_wait3A_632 = arith.constant 0 : i32
    %dma_wait3A_633 = tpu.memref_slice %arg8[%dma_wait3A_631, %dma_wait3A_632] : memref<24x2xi32, #tpu.memory_space<vmem>> -> memref<1x2xi32, #tpu.memory_space<vmem>>
    %dma_wait3A_634 = tpu.memref_squeeze %dma_wait3A_633 : memref<1x2xi32, #tpu.memory_space<vmem>> -> memref<2xi32, #tpu.memory_space<vmem>>
    %dma_wait3A_635 = arith.constant 0 : i32
    %dma_wait3A_636 = arith.constant 0 : i32
    %dma_wait3A_637 = arith.constant 0 : i32
    %dma_wait3A_638 = tpu.memref_slice %arg3[%dma_wait3A_635, %dma_wait3A_636, %dma_wait3A_637] : memref<2048x16x1024xf32, #tpu.memory_space<hbm>> -> memref<2048x16x1024xf32, #tpu.memory_space<hbm>>
    tpu.wait_indirect_dma semaphore(%arg15 : memref<!tpu.dma_semaphore, #tpu.memory_space<semaphore_mem>>) src(%dma_wait3A_638 : memref<2048x16x1024xf32, #tpu.memory_space<hbm>>) dst(%arg12 : memref<2x16x1024xf32, #tpu.memory_space<vmem>>)
    %dma_start3A_639 = arith.constant 19 : i32
    %dma_start3A_640 = arith.constant 0 : i32
    %dma_start3A_641 = tpu.memref_slice %arg8[%dma_start3A_639, %dma_start3A_640] : memref<24x2xi32, #tpu.memory_space<vmem>> -> memref<1x2xi32, #tpu.memory_space<vmem>>
    %dma_start3A_642 = tpu.memref_squeeze %dma_start3A_641 : memref<1x2xi32, #tpu.memory_space<vmem>> -> memref<2xi32, #tpu.memory_space<vmem>>
    %dma_start3A_643 = arith.constant 0 : i32
    %dma_start3A_644 = arith.constant 0 : i32
    %dma_start3A_645 = arith.constant 0 : i32
    %dma_start3A_646 = tpu.memref_slice %arg7[%dma_start3A_643, %dma_start3A_644, %dma_start3A_645] : memref<2048x16x1024xf32, #tpu.memory_space<hbm>> -> memref<2048x16x1024xf32, #tpu.memory_space<hbm>>
    tpu.enqueue_indirect_dma source(%arg12 : memref<2x16x1024xf32, #tpu.memory_space<vmem>>) target(%dma_start3A_646 : memref<2048x16x1024xf32, #tpu.memory_space<hbm>>) offsets(%dma_start3A_642 : memref<2xi32, #tpu.memory_space<vmem>>) semaphore(%arg18 : memref<!tpu.dma_semaphore, #tpu.memory_space<semaphore_mem>>)
    %dma_wait3A_647 = arith.constant 19 : i32
    %dma_wait3A_648 = arith.constant 0 : i32
    %dma_wait3A_649 = tpu.memref_slice %arg8[%dma_wait3A_647, %dma_wait3A_648] : memref<24x2xi32, #tpu.memory_space<vmem>> -> memref<1x2xi32, #tpu.memory_space<vmem>>
    %dma_wait3A_650 = tpu.memref_squeeze %dma_wait3A_649 : memref<1x2xi32, #tpu.memory_space<vmem>> -> memref<2xi32, #tpu.memory_space<vmem>>
    %dma_wait3A_651 = arith.constant 0 : i32
    %dma_wait3A_652 = arith.constant 0 : i32
    %dma_wait3A_653 = arith.constant 0 : i32
    %dma_wait3A_654 = tpu.memref_slice %arg7[%dma_wait3A_651, %dma_wait3A_652, %dma_wait3A_653] : memref<2048x16x1024xf32, #tpu.memory_space<hbm>> -> memref<2048x16x1024xf32, #tpu.memory_space<hbm>>
    tpu.wait_indirect_dma semaphore(%arg18 : memref<!tpu.dma_semaphore, #tpu.memory_space<semaphore_mem>>) src(%arg12 : memref<2x16x1024xf32, #tpu.memory_space<vmem>>) dst(%dma_wait3A_654 : memref<2048x16x1024xf32, #tpu.memory_space<hbm>>)
    %dma_start3A_655 = arith.constant 22 : i32
    %dma_start3A_656 = arith.constant 0 : i32
    %dma_start3A_657 = tpu.memref_slice %arg8[%dma_start3A_655, %dma_start3A_656] : memref<24x2xi32, #tpu.memory_space<vmem>> -> memref<1x2xi32, #tpu.memory_space<vmem>>
    %dma_start3A_658 = tpu.memref_squeeze %dma_start3A_657 : memref<1x2xi32, #tpu.memory_space<vmem>> -> memref<2xi32, #tpu.memory_space<vmem>>
    %dma_start3A_659 = arith.constant 0 : i32
    %dma_start3A_660 = arith.constant 0 : i32
    %dma_start3A_661 = arith.constant 0 : i32
    %dma_start3A_662 = tpu.memref_slice %arg3[%dma_start3A_659, %dma_start3A_660, %dma_start3A_661] : memref<2048x16x1024xf32, #tpu.memory_space<hbm>> -> memref<2048x16x1024xf32, #tpu.memory_space<hbm>>
    tpu.enqueue_indirect_dma source(%dma_start3A_662 : memref<2048x16x1024xf32, #tpu.memory_space<hbm>>) target(%arg12 : memref<2x16x1024xf32, #tpu.memory_space<vmem>>) offsets(%dma_start3A_658 : memref<2xi32, #tpu.memory_space<vmem>>) semaphore(%arg15 : memref<!tpu.dma_semaphore, #tpu.memory_space<semaphore_mem>>)
    %dma_wait3A_663 = arith.constant 20 : i32
    %dma_wait3A_664 = arith.constant 0 : i32
    %dma_wait3A_665 = tpu.memref_slice %arg8[%dma_wait3A_663, %dma_wait3A_664] : memref<24x2xi32, #tpu.memory_space<vmem>> -> memref<1x2xi32, #tpu.memory_space<vmem>>
    %dma_wait3A_666 = tpu.memref_squeeze %dma_wait3A_665 : memref<1x2xi32, #tpu.memory_space<vmem>> -> memref<2xi32, #tpu.memory_space<vmem>>
    %dma_wait3A_667 = arith.constant 0 : i32
    %dma_wait3A_668 = arith.constant 0 : i32
    %dma_wait3A_669 = arith.constant 0 : i32
    %dma_wait3A_670 = tpu.memref_slice %arg3[%dma_wait3A_667, %dma_wait3A_668, %dma_wait3A_669] : memref<2048x16x1024xf32, #tpu.memory_space<hbm>> -> memref<2048x16x1024xf32, #tpu.memory_space<hbm>>
    tpu.wait_indirect_dma semaphore(%arg16 : memref<!tpu.dma_semaphore, #tpu.memory_space<semaphore_mem>>) src(%dma_wait3A_670 : memref<2048x16x1024xf32, #tpu.memory_space<hbm>>) dst(%arg13 : memref<2x16x1024xf32, #tpu.memory_space<vmem>>)
    %dma_start3A_671 = arith.constant 20 : i32
    %dma_start3A_672 = arith.constant 0 : i32
    %dma_start3A_673 = tpu.memref_slice %arg8[%dma_start3A_671, %dma_start3A_672] : memref<24x2xi32, #tpu.memory_space<vmem>> -> memref<1x2xi32, #tpu.memory_space<vmem>>
    %dma_start3A_674 = tpu.memref_squeeze %dma_start3A_673 : memref<1x2xi32, #tpu.memory_space<vmem>> -> memref<2xi32, #tpu.memory_space<vmem>>
    %dma_start3A_675 = arith.constant 0 : i32
    %dma_start3A_676 = arith.constant 0 : i32
    %dma_start3A_677 = arith.constant 0 : i32
    %dma_start3A_678 = tpu.memref_slice %arg7[%dma_start3A_675, %dma_start3A_676, %dma_start3A_677] : memref<2048x16x1024xf32, #tpu.memory_space<hbm>> -> memref<2048x16x1024xf32, #tpu.memory_space<hbm>>
    tpu.enqueue_indirect_dma source(%arg13 : memref<2x16x1024xf32, #tpu.memory_space<vmem>>) target(%dma_start3A_678 : memref<2048x16x1024xf32, #tpu.memory_space<hbm>>) offsets(%dma_start3A_674 : memref<2xi32, #tpu.memory_space<vmem>>) semaphore(%arg19 : memref<!tpu.dma_semaphore, #tpu.memory_space<semaphore_mem>>)
    %dma_wait3A_679 = arith.constant 20 : i32
    %dma_wait3A_680 = arith.constant 0 : i32
    %dma_wait3A_681 = tpu.memref_slice %arg8[%dma_wait3A_679, %dma_wait3A_680] : memref<24x2xi32, #tpu.memory_space<vmem>> -> memref<1x2xi32, #tpu.memory_space<vmem>>
    %dma_wait3A_682 = tpu.memref_squeeze %dma_wait3A_681 : memref<1x2xi32, #tpu.memory_space<vmem>> -> memref<2xi32, #tpu.memory_space<vmem>>
    %dma_wait3A_683 = arith.constant 0 : i32
    %dma_wait3A_684 = arith.constant 0 : i32
    %dma_wait3A_685 = arith.constant 0 : i32
    %dma_wait3A_686 = tpu.memref_slice %arg7[%dma_wait3A_683, %dma_wait3A_684, %dma_wait3A_685] : memref<2048x16x1024xf32, #tpu.memory_space<hbm>> -> memref<2048x16x1024xf32, #tpu.memory_space<hbm>>
    tpu.wait_indirect_dma semaphore(%arg19 : memref<!tpu.dma_semaphore, #tpu.memory_space<semaphore_mem>>) src(%arg13 : memref<2x16x1024xf32, #tpu.memory_space<vmem>>) dst(%dma_wait3A_686 : memref<2048x16x1024xf32, #tpu.memory_space<hbm>>)
    %dma_start3A_687 = arith.constant 23 : i32
    %dma_start3A_688 = arith.constant 0 : i32
    %dma_start3A_689 = tpu.memref_slice %arg8[%dma_start3A_687, %dma_start3A_688] : memref<24x2xi32, #tpu.memory_space<vmem>> -> memref<1x2xi32, #tpu.memory_space<vmem>>
    %dma_start3A_690 = tpu.memref_squeeze %dma_start3A_689 : memref<1x2xi32, #tpu.memory_space<vmem>> -> memref<2xi32, #tpu.memory_space<vmem>>
    %dma_start3A_691 = arith.constant 0 : i32
    %dma_start3A_692 = arith.constant 0 : i32
    %dma_start3A_693 = arith.constant 0 : i32
    %dma_start3A_694 = tpu.memref_slice %arg3[%dma_start3A_691, %dma_start3A_692, %dma_start3A_693] : memref<2048x16x1024xf32, #tpu.memory_space<hbm>> -> memref<2048x16x1024xf32, #tpu.memory_space<hbm>>
    tpu.enqueue_indirect_dma source(%dma_start3A_694 : memref<2048x16x1024xf32, #tpu.memory_space<hbm>>) target(%arg13 : memref<2x16x1024xf32, #tpu.memory_space<vmem>>) offsets(%dma_start3A_690 : memref<2xi32, #tpu.memory_space<vmem>>) semaphore(%arg16 : memref<!tpu.dma_semaphore, #tpu.memory_space<semaphore_mem>>)
    %dma_wait3A_695 = arith.constant 21 : i32
    %dma_wait3A_696 = arith.constant 0 : i32
    %dma_wait3A_697 = tpu.memref_slice %arg8[%dma_wait3A_695, %dma_wait3A_696] : memref<24x2xi32, #tpu.memory_space<vmem>> -> memref<1x2xi32, #tpu.memory_space<vmem>>
    %dma_wait3A_698 = tpu.memref_squeeze %dma_wait3A_697 : memref<1x2xi32, #tpu.memory_space<vmem>> -> memref<2xi32, #tpu.memory_space<vmem>>
    %dma_wait3A_699 = arith.constant 0 : i32
    %dma_wait3A_700 = arith.constant 0 : i32
    %dma_wait3A_701 = arith.constant 0 : i32
    %dma_wait3A_702 = tpu.memref_slice %arg3[%dma_wait3A_699, %dma_wait3A_700, %dma_wait3A_701] : memref<2048x16x1024xf32, #tpu.memory_space<hbm>> -> memref<2048x16x1024xf32, #tpu.memory_space<hbm>>
    tpu.wait_indirect_dma semaphore(%arg14 : memref<!tpu.dma_semaphore, #tpu.memory_space<semaphore_mem>>) src(%dma_wait3A_702 : memref<2048x16x1024xf32, #tpu.memory_space<hbm>>) dst(%arg11 : memref<2x16x1024xf32, #tpu.memory_space<vmem>>)
    %dma_start3A_703 = arith.constant 21 : i32
    %dma_start3A_704 = arith.constant 0 : i32
    %dma_start3A_705 = tpu.memref_slice %arg8[%dma_start3A_703, %dma_start3A_704] : memref<24x2xi32, #tpu.memory_space<vmem>> -> memref<1x2xi32, #tpu.memory_space<vmem>>
    %dma_start3A_706 = tpu.memref_squeeze %dma_start3A_705 : memref<1x2xi32, #tpu.memory_space<vmem>> -> memref<2xi32, #tpu.memory_space<vmem>>
    %dma_start3A_707 = arith.constant 0 : i32
    %dma_start3A_708 = arith.constant 0 : i32
    %dma_start3A_709 = arith.constant 0 : i32
    %dma_start3A_710 = tpu.memref_slice %arg7[%dma_start3A_707, %dma_start3A_708, %dma_start3A_709] : memref<2048x16x1024xf32, #tpu.memory_space<hbm>> -> memref<2048x16x1024xf32, #tpu.memory_space<hbm>>
    tpu.enqueue_indirect_dma source(%arg11 : memref<2x16x1024xf32, #tpu.memory_space<vmem>>) target(%dma_start3A_710 : memref<2048x16x1024xf32, #tpu.memory_space<hbm>>) offsets(%dma_start3A_706 : memref<2xi32, #tpu.memory_space<vmem>>) semaphore(%arg17 : memref<!tpu.dma_semaphore, #tpu.memory_space<semaphore_mem>>)
    %dma_wait3A_711 = arith.constant 21 : i32
    %dma_wait3A_712 = arith.constant 0 : i32
    %dma_wait3A_713 = tpu.memref_slice %arg8[%dma_wait3A_711, %dma_wait3A_712] : memref<24x2xi32, #tpu.memory_space<vmem>> -> memref<1x2xi32, #tpu.memory_space<vmem>>
    %dma_wait3A_714 = tpu.memref_squeeze %dma_wait3A_713 : memref<1x2xi32, #tpu.memory_space<vmem>> -> memref<2xi32, #tpu.memory_space<vmem>>
    %dma_wait3A_715 = arith.constant 0 : i32
    %dma_wait3A_716 = arith.constant 0 : i32
    %dma_wait3A_717 = arith.constant 0 : i32
    %dma_wait3A_718 = tpu.memref_slice %arg7[%dma_wait3A_715, %dma_wait3A_716, %dma_wait3A_717] : memref<2048x16x1024xf32, #tpu.memory_space<hbm>> -> memref<2048x16x1024xf32, #tpu.memory_space<hbm>>
    tpu.wait_indirect_dma semaphore(%arg17 : memref<!tpu.dma_semaphore, #tpu.memory_space<semaphore_mem>>) src(%arg11 : memref<2x16x1024xf32, #tpu.memory_space<vmem>>) dst(%dma_wait3A_718 : memref<2048x16x1024xf32, #tpu.memory_space<hbm>>)
    %dma_wait3A_719 = arith.constant 22 : i32
    %dma_wait3A_720 = arith.constant 0 : i32
    %dma_wait3A_721 = tpu.memref_slice %arg8[%dma_wait3A_719, %dma_wait3A_720] : memref<24x2xi32, #tpu.memory_space<vmem>> -> memref<1x2xi32, #tpu.memory_space<vmem>>
    %dma_wait3A_722 = tpu.memref_squeeze %dma_wait3A_721 : memref<1x2xi32, #tpu.memory_space<vmem>> -> memref<2xi32, #tpu.memory_space<vmem>>
    %dma_wait3A_723 = arith.constant 0 : i32
    %dma_wait3A_724 = arith.constant 0 : i32
    %dma_wait3A_725 = arith.constant 0 : i32
    %dma_wait3A_726 = tpu.memref_slice %arg3[%dma_wait3A_723, %dma_wait3A_724, %dma_wait3A_725] : memref<2048x16x1024xf32, #tpu.memory_space<hbm>> -> memref<2048x16x1024xf32, #tpu.memory_space<hbm>>
    tpu.wait_indirect_dma semaphore(%arg15 : memref<!tpu.dma_semaphore, #tpu.memory_space<semaphore_mem>>) src(%dma_wait3A_726 : memref<2048x16x1024xf32, #tpu.memory_space<hbm>>) dst(%arg12 : memref<2x16x1024xf32, #tpu.memory_space<vmem>>)
    %dma_start3A_727 = arith.constant 22 : i32
    %dma_start3A_728 = arith.constant 0 : i32
    %dma_start3A_729 = tpu.memref_slice %arg8[%dma_start3A_727, %dma_start3A_728] : memref<24x2xi32, #tpu.memory_space<vmem>> -> memref<1x2xi32, #tpu.memory_space<vmem>>
    %dma_start3A_730 = tpu.memref_squeeze %dma_start3A_729 : memref<1x2xi32, #tpu.memory_space<vmem>> -> memref<2xi32, #tpu.memory_space<vmem>>
    %dma_start3A_731 = arith.constant 0 : i32
    %dma_start3A_732 = arith.constant 0 : i32
    %dma_start3A_733 = arith.constant 0 : i32
    %dma_start3A_734 = tpu.memref_slice %arg7[%dma_start3A_731, %dma_start3A_732, %dma_start3A_733] : memref<2048x16x1024xf32, #tpu.memory_space<hbm>> -> memref<2048x16x1024xf32, #tpu.memory_space<hbm>>
    tpu.enqueue_indirect_dma source(%arg12 : memref<2x16x1024xf32, #tpu.memory_space<vmem>>) target(%dma_start3A_734 : memref<2048x16x1024xf32, #tpu.memory_space<hbm>>) offsets(%dma_start3A_730 : memref<2xi32, #tpu.memory_space<vmem>>) semaphore(%arg18 : memref<!tpu.dma_semaphore, #tpu.memory_space<semaphore_mem>>)
    %dma_wait3A_735 = arith.constant 22 : i32
    %dma_wait3A_736 = arith.constant 0 : i32
    %dma_wait3A_737 = tpu.memref_slice %arg8[%dma_wait3A_735, %dma_wait3A_736] : memref<24x2xi32, #tpu.memory_space<vmem>> -> memref<1x2xi32, #tpu.memory_space<vmem>>
    %dma_wait3A_738 = tpu.memref_squeeze %dma_wait3A_737 : memref<1x2xi32, #tpu.memory_space<vmem>> -> memref<2xi32, #tpu.memory_space<vmem>>
    %dma_wait3A_739 = arith.constant 0 : i32
    %dma_wait3A_740 = arith.constant 0 : i32
    %dma_wait3A_741 = arith.constant 0 : i32
    %dma_wait3A_742 = tpu.memref_slice %arg7[%dma_wait3A_739, %dma_wait3A_740, %dma_wait3A_741] : memref<2048x16x1024xf32, #tpu.memory_space<hbm>> -> memref<2048x16x1024xf32, #tpu.memory_space<hbm>>
    tpu.wait_indirect_dma semaphore(%arg18 : memref<!tpu.dma_semaphore, #tpu.memory_space<semaphore_mem>>) src(%arg12 : memref<2x16x1024xf32, #tpu.memory_space<vmem>>) dst(%dma_wait3A_742 : memref<2048x16x1024xf32, #tpu.memory_space<hbm>>)
    %dma_wait3A_743 = arith.constant 23 : i32
    %dma_wait3A_744 = arith.constant 0 : i32
    %dma_wait3A_745 = tpu.memref_slice %arg8[%dma_wait3A_743, %dma_wait3A_744] : memref<24x2xi32, #tpu.memory_space<vmem>> -> memref<1x2xi32, #tpu.memory_space<vmem>>
    %dma_wait3A_746 = tpu.memref_squeeze %dma_wait3A_745 : memref<1x2xi32, #tpu.memory_space<vmem>> -> memref<2xi32, #tpu.memory_space<vmem>>
    %dma_wait3A_747 = arith.constant 0 : i32
    %dma_wait3A_748 = arith.constant 0 : i32
    %dma_wait3A_749 = arith.constant 0 : i32
    %dma_wait3A_750 = tpu.memref_slice %arg3[%dma_wait3A_747, %dma_wait3A_748, %dma_wait3A_749] : memref<2048x16x1024xf32, #tpu.memory_space<hbm>> -> memref<2048x16x1024xf32, #tpu.memory_space<hbm>>
    tpu.wait_indirect_dma semaphore(%arg16 : memref<!tpu.dma_semaphore, #tpu.memory_space<semaphore_mem>>) src(%dma_wait3A_750 : memref<2048x16x1024xf32, #tpu.memory_space<hbm>>) dst(%arg13 : memref<2x16x1024xf32, #tpu.memory_space<vmem>>)
    %dma_start3A_751 = arith.constant 23 : i32
    %dma_start3A_752 = arith.constant 0 : i32
    %dma_start3A_753 = tpu.memref_slice %arg8[%dma_start3A_751, %dma_start3A_752] : memref<24x2xi32, #tpu.memory_space<vmem>> -> memref<1x2xi32, #tpu.memory_space<vmem>>
    %dma_start3A_754 = tpu.memref_squeeze %dma_start3A_753 : memref<1x2xi32, #tpu.memory_space<vmem>> -> memref<2xi32, #tpu.memory_space<vmem>>
    %dma_start3A_755 = arith.constant 0 : i32
    %dma_start3A_756 = arith.constant 0 : i32
    %dma_start3A_757 = arith.constant 0 : i32
    %dma_start3A_758 = tpu.memref_slice %arg7[%dma_start3A_755, %dma_start3A_756, %dma_start3A_757] : memref<2048x16x1024xf32, #tpu.memory_space<hbm>> -> memref<2048x16x1024xf32, #tpu.memory_space<hbm>>
    tpu.enqueue_indirect_dma source(%arg13 : memref<2x16x1024xf32, #tpu.memory_space<vmem>>) target(%dma_start3A_758 : memref<2048x16x1024xf32, #tpu.memory_space<hbm>>) offsets(%dma_start3A_754 : memref<2xi32, #tpu.memory_space<vmem>>) semaphore(%arg19 : memref<!tpu.dma_semaphore, #tpu.memory_space<semaphore_mem>>)
    %dma_wait3A_759 = arith.constant 23 : i32
    %dma_wait3A_760 = arith.constant 0 : i32
    %dma_wait3A_761 = tpu.memref_slice %arg8[%dma_wait3A_759, %dma_wait3A_760] : memref<24x2xi32, #tpu.memory_space<vmem>> -> memref<1x2xi32, #tpu.memory_space<vmem>>
    %dma_wait3A_762 = tpu.memref_squeeze %dma_wait3A_761 : memref<1x2xi32, #tpu.memory_space<vmem>> -> memref<2xi32, #tpu.memory_space<vmem>>
    %dma_wait3A_763 = arith.constant 0 : i32
    %dma_wait3A_764 = arith.constant 0 : i32
    %dma_wait3A_765 = arith.constant 0 : i32
    %dma_wait3A_766 = tpu.memref_slice %arg7[%dma_wait3A_763, %dma_wait3A_764, %dma_wait3A_765] : memref<2048x16x1024xf32, #tpu.memory_space<hbm>> -> memref<2048x16x1024xf32, #tpu.memory_space<hbm>>
    tpu.wait_indirect_dma semaphore(%arg19 : memref<!tpu.dma_semaphore, #tpu.memory_space<semaphore_mem>>) src(%arg13 : memref<2x16x1024xf32, #tpu.memory_space<vmem>>) dst(%dma_wait3A_766 : memref<2048x16x1024xf32, #tpu.memory_space<hbm>>)
    %dma_start3A_767 = arith.constant 0 : i32
    %dma_start3A_768 = arith.constant 0 : i32
    %dma_start3A_769 = tpu.memref_slice %arg9[%dma_start3A_767, %dma_start3A_768] : memref<8x2xi32, #tpu.memory_space<vmem>> -> memref<1x2xi32, #tpu.memory_space<vmem>>
    %dma_start3A_770 = tpu.memref_squeeze %dma_start3A_769 : memref<1x2xi32, #tpu.memory_space<vmem>> -> memref<2xi32, #tpu.memory_space<vmem>>
    %dma_start3A_771 = arith.constant 0 : i32
    %dma_start3A_772 = arith.constant 0 : i32
    %dma_start3A_773 = arith.constant 0 : i32
    %dma_start3A_774 = tpu.memref_slice %arg2[%dma_start3A_771, %dma_start3A_772, %dma_start3A_773] : memref<512x16x1024xf32, #tpu.memory_space<hbm>> -> memref<512x16x1024xf32, #tpu.memory_space<hbm>>
    tpu.enqueue_indirect_dma source(%dma_start3A_774 : memref<512x16x1024xf32, #tpu.memory_space<hbm>>) target(%arg11 : memref<2x16x1024xf32, #tpu.memory_space<vmem>>) offsets(%dma_start3A_770 : memref<2xi32, #tpu.memory_space<vmem>>) semaphore(%arg14 : memref<!tpu.dma_semaphore, #tpu.memory_space<semaphore_mem>>)
    %dma_start3A_775 = arith.constant 1 : i32
    %dma_start3A_776 = arith.constant 0 : i32
    %dma_start3A_777 = tpu.memref_slice %arg9[%dma_start3A_775, %dma_start3A_776] : memref<8x2xi32, #tpu.memory_space<vmem>> -> memref<1x2xi32, #tpu.memory_space<vmem>>
    %dma_start3A_778 = tpu.memref_squeeze %dma_start3A_777 : memref<1x2xi32, #tpu.memory_space<vmem>> -> memref<2xi32, #tpu.memory_space<vmem>>
    %dma_start3A_779 = arith.constant 0 : i32
    %dma_start3A_780 = arith.constant 0 : i32
    %dma_start3A_781 = arith.constant 0 : i32
    %dma_start3A_782 = tpu.memref_slice %arg2[%dma_start3A_779, %dma_start3A_780, %dma_start3A_781] : memref<512x16x1024xf32, #tpu.memory_space<hbm>> -> memref<512x16x1024xf32, #tpu.memory_space<hbm>>
    tpu.enqueue_indirect_dma source(%dma_start3A_782 : memref<512x16x1024xf32, #tpu.memory_space<hbm>>) target(%arg12 : memref<2x16x1024xf32, #tpu.memory_space<vmem>>) offsets(%dma_start3A_778 : memref<2xi32, #tpu.memory_space<vmem>>) semaphore(%arg15 : memref<!tpu.dma_semaphore, #tpu.memory_space<semaphore_mem>>)
    %dma_start3A_783 = arith.constant 2 : i32
    %dma_start3A_784 = arith.constant 0 : i32
    %dma_start3A_785 = tpu.memref_slice %arg9[%dma_start3A_783, %dma_start3A_784] : memref<8x2xi32, #tpu.memory_space<vmem>> -> memref<1x2xi32, #tpu.memory_space<vmem>>
    %dma_start3A_786 = tpu.memref_squeeze %dma_start3A_785 : memref<1x2xi32, #tpu.memory_space<vmem>> -> memref<2xi32, #tpu.memory_space<vmem>>
    %dma_start3A_787 = arith.constant 0 : i32
    %dma_start3A_788 = arith.constant 0 : i32
    %dma_start3A_789 = arith.constant 0 : i32
    %dma_start3A_790 = tpu.memref_slice %arg2[%dma_start3A_787, %dma_start3A_788, %dma_start3A_789] : memref<512x16x1024xf32, #tpu.memory_space<hbm>> -> memref<512x16x1024xf32, #tpu.memory_space<hbm>>
    tpu.enqueue_indirect_dma source(%dma_start3A_790 : memref<512x16x1024xf32, #tpu.memory_space<hbm>>) target(%arg13 : memref<2x16x1024xf32, #tpu.memory_space<vmem>>) offsets(%dma_start3A_786 : memref<2xi32, #tpu.memory_space<vmem>>) semaphore(%arg16 : memref<!tpu.dma_semaphore, #tpu.memory_space<semaphore_mem>>)
    %dma_wait3A_791 = arith.constant 0 : i32
    %dma_wait3A_792 = arith.constant 0 : i32
    %dma_wait3A_793 = tpu.memref_slice %arg9[%dma_wait3A_791, %dma_wait3A_792] : memref<8x2xi32, #tpu.memory_space<vmem>> -> memref<1x2xi32, #tpu.memory_space<vmem>>
    %dma_wait3A_794 = tpu.memref_squeeze %dma_wait3A_793 : memref<1x2xi32, #tpu.memory_space<vmem>> -> memref<2xi32, #tpu.memory_space<vmem>>
    %dma_wait3A_795 = arith.constant 0 : i32
    %dma_wait3A_796 = arith.constant 0 : i32
    %dma_wait3A_797 = arith.constant 0 : i32
    %dma_wait3A_798 = tpu.memref_slice %arg2[%dma_wait3A_795, %dma_wait3A_796, %dma_wait3A_797] : memref<512x16x1024xf32, #tpu.memory_space<hbm>> -> memref<512x16x1024xf32, #tpu.memory_space<hbm>>
    tpu.wait_indirect_dma semaphore(%arg14 : memref<!tpu.dma_semaphore, #tpu.memory_space<semaphore_mem>>) src(%dma_wait3A_798 : memref<512x16x1024xf32, #tpu.memory_space<hbm>>) dst(%arg11 : memref<2x16x1024xf32, #tpu.memory_space<vmem>>)
    %dma_start3A_799 = arith.constant 0 : i32
    %dma_start3A_800 = arith.constant 0 : i32
    %dma_start3A_801 = tpu.memref_slice %arg10[%dma_start3A_799, %dma_start3A_800] : memref<8x2xi32, #tpu.memory_space<vmem>> -> memref<1x2xi32, #tpu.memory_space<vmem>>
    %dma_start3A_802 = tpu.memref_squeeze %dma_start3A_801 : memref<1x2xi32, #tpu.memory_space<vmem>> -> memref<2xi32, #tpu.memory_space<vmem>>
    %dma_start3A_803 = arith.constant 0 : i32
    %dma_start3A_804 = arith.constant 0 : i32
    %dma_start3A_805 = arith.constant 0 : i32
    %dma_start3A_806 = tpu.memref_slice %arg7[%dma_start3A_803, %dma_start3A_804, %dma_start3A_805] : memref<2048x16x1024xf32, #tpu.memory_space<hbm>> -> memref<2048x16x1024xf32, #tpu.memory_space<hbm>>
    tpu.enqueue_indirect_dma source(%arg11 : memref<2x16x1024xf32, #tpu.memory_space<vmem>>) target(%dma_start3A_806 : memref<2048x16x1024xf32, #tpu.memory_space<hbm>>) offsets(%dma_start3A_802 : memref<2xi32, #tpu.memory_space<vmem>>) semaphore(%arg17 : memref<!tpu.dma_semaphore, #tpu.memory_space<semaphore_mem>>)
    %dma_wait3A_807 = arith.constant 0 : i32
    %dma_wait3A_808 = arith.constant 0 : i32
    %dma_wait3A_809 = tpu.memref_slice %arg10[%dma_wait3A_807, %dma_wait3A_808] : memref<8x2xi32, #tpu.memory_space<vmem>> -> memref<1x2xi32, #tpu.memory_space<vmem>>
    %dma_wait3A_810 = tpu.memref_squeeze %dma_wait3A_809 : memref<1x2xi32, #tpu.memory_space<vmem>> -> memref<2xi32, #tpu.memory_space<vmem>>
    %dma_wait3A_811 = arith.constant 0 : i32
    %dma_wait3A_812 = arith.constant 0 : i32
    %dma_wait3A_813 = arith.constant 0 : i32
    %dma_wait3A_814 = tpu.memref_slice %arg7[%dma_wait3A_811, %dma_wait3A_812, %dma_wait3A_813] : memref<2048x16x1024xf32, #tpu.memory_space<hbm>> -> memref<2048x16x1024xf32, #tpu.memory_space<hbm>>
    tpu.wait_indirect_dma semaphore(%arg17 : memref<!tpu.dma_semaphore, #tpu.memory_space<semaphore_mem>>) src(%arg11 : memref<2x16x1024xf32, #tpu.memory_space<vmem>>) dst(%dma_wait3A_814 : memref<2048x16x1024xf32, #tpu.memory_space<hbm>>)
    %dma_start3A_815 = arith.constant 3 : i32
    %dma_start3A_816 = arith.constant 0 : i32
    %dma_start3A_817 = tpu.memref_slice %arg9[%dma_start3A_815, %dma_start3A_816] : memref<8x2xi32, #tpu.memory_space<vmem>> -> memref<1x2xi32, #tpu.memory_space<vmem>>
    %dma_start3A_818 = tpu.memref_squeeze %dma_start3A_817 : memref<1x2xi32, #tpu.memory_space<vmem>> -> memref<2xi32, #tpu.memory_space<vmem>>
    %dma_start3A_819 = arith.constant 0 : i32
    %dma_start3A_820 = arith.constant 0 : i32
    %dma_start3A_821 = arith.constant 0 : i32
    %dma_start3A_822 = tpu.memref_slice %arg2[%dma_start3A_819, %dma_start3A_820, %dma_start3A_821] : memref<512x16x1024xf32, #tpu.memory_space<hbm>> -> memref<512x16x1024xf32, #tpu.memory_space<hbm>>
    tpu.enqueue_indirect_dma source(%dma_start3A_822 : memref<512x16x1024xf32, #tpu.memory_space<hbm>>) target(%arg11 : memref<2x16x1024xf32, #tpu.memory_space<vmem>>) offsets(%dma_start3A_818 : memref<2xi32, #tpu.memory_space<vmem>>) semaphore(%arg14 : memref<!tpu.dma_semaphore, #tpu.memory_space<semaphore_mem>>)
    %dma_wait3A_823 = arith.constant 1 : i32
    %dma_wait3A_824 = arith.constant 0 : i32
    %dma_wait3A_825 = tpu.memref_slice %arg9[%dma_wait3A_823, %dma_wait3A_824] : memref<8x2xi32, #tpu.memory_space<vmem>> -> memref<1x2xi32, #tpu.memory_space<vmem>>
    %dma_wait3A_826 = tpu.memref_squeeze %dma_wait3A_825 : memref<1x2xi32, #tpu.memory_space<vmem>> -> memref<2xi32, #tpu.memory_space<vmem>>
    %dma_wait3A_827 = arith.constant 0 : i32
    %dma_wait3A_828 = arith.constant 0 : i32
    %dma_wait3A_829 = arith.constant 0 : i32
    %dma_wait3A_830 = tpu.memref_slice %arg2[%dma_wait3A_827, %dma_wait3A_828, %dma_wait3A_829] : memref<512x16x1024xf32, #tpu.memory_space<hbm>> -> memref<512x16x1024xf32, #tpu.memory_space<hbm>>
    tpu.wait_indirect_dma semaphore(%arg15 : memref<!tpu.dma_semaphore, #tpu.memory_space<semaphore_mem>>) src(%dma_wait3A_830 : memref<512x16x1024xf32, #tpu.memory_space<hbm>>) dst(%arg12 : memref<2x16x1024xf32, #tpu.memory_space<vmem>>)
    %dma_start3A_831 = arith.constant 1 : i32
    %dma_start3A_832 = arith.constant 0 : i32
    %dma_start3A_833 = tpu.memref_slice %arg10[%dma_start3A_831, %dma_start3A_832] : memref<8x2xi32, #tpu.memory_space<vmem>> -> memref<1x2xi32, #tpu.memory_space<vmem>>
    %dma_start3A_834 = tpu.memref_squeeze %dma_start3A_833 : memref<1x2xi32, #tpu.memory_space<vmem>> -> memref<2xi32, #tpu.memory_space<vmem>>
    %dma_start3A_835 = arith.constant 0 : i32
    %dma_start3A_836 = arith.constant 0 : i32
    %dma_start3A_837 = arith.constant 0 : i32
    %dma_start3A_838 = tpu.memref_slice %arg7[%dma_start3A_835, %dma_start3A_836, %dma_start3A_837] : memref<2048x16x1024xf32, #tpu.memory_space<hbm>> -> memref<2048x16x1024xf32, #tpu.memory_space<hbm>>
    tpu.enqueue_indirect_dma source(%arg12 : memref<2x16x1024xf32, #tpu.memory_space<vmem>>) target(%dma_start3A_838 : memref<2048x16x1024xf32, #tpu.memory_space<hbm>>) offsets(%dma_start3A_834 : memref<2xi32, #tpu.memory_space<vmem>>) semaphore(%arg18 : memref<!tpu.dma_semaphore, #tpu.memory_space<semaphore_mem>>)
    %dma_wait3A_839 = arith.constant 1 : i32
    %dma_wait3A_840 = arith.constant 0 : i32
    %dma_wait3A_841 = tpu.memref_slice %arg10[%dma_wait3A_839, %dma_wait3A_840] : memref<8x2xi32, #tpu.memory_space<vmem>> -> memref<1x2xi32, #tpu.memory_space<vmem>>
    %dma_wait3A_842 = tpu.memref_squeeze %dma_wait3A_841 : memref<1x2xi32, #tpu.memory_space<vmem>> -> memref<2xi32, #tpu.memory_space<vmem>>
    %dma_wait3A_843 = arith.constant 0 : i32
    %dma_wait3A_844 = arith.constant 0 : i32
    %dma_wait3A_845 = arith.constant 0 : i32
    %dma_wait3A_846 = tpu.memref_slice %arg7[%dma_wait3A_843, %dma_wait3A_844, %dma_wait3A_845] : memref<2048x16x1024xf32, #tpu.memory_space<hbm>> -> memref<2048x16x1024xf32, #tpu.memory_space<hbm>>
    tpu.wait_indirect_dma semaphore(%arg18 : memref<!tpu.dma_semaphore, #tpu.memory_space<semaphore_mem>>) src(%arg12 : memref<2x16x1024xf32, #tpu.memory_space<vmem>>) dst(%dma_wait3A_846 : memref<2048x16x1024xf32, #tpu.memory_space<hbm>>)
    %dma_start3A_847 = arith.constant 4 : i32
    %dma_start3A_848 = arith.constant 0 : i32
    %dma_start3A_849 = tpu.memref_slice %arg9[%dma_start3A_847, %dma_start3A_848] : memref<8x2xi32, #tpu.memory_space<vmem>> -> memref<1x2xi32, #tpu.memory_space<vmem>>
    %dma_start3A_850 = tpu.memref_squeeze %dma_start3A_849 : memref<1x2xi32, #tpu.memory_space<vmem>> -> memref<2xi32, #tpu.memory_space<vmem>>
    %dma_start3A_851 = arith.constant 0 : i32
    %dma_start3A_852 = arith.constant 0 : i32
    %dma_start3A_853 = arith.constant 0 : i32
    %dma_start3A_854 = tpu.memref_slice %arg2[%dma_start3A_851, %dma_start3A_852, %dma_start3A_853] : memref<512x16x1024xf32, #tpu.memory_space<hbm>> -> memref<512x16x1024xf32, #tpu.memory_space<hbm>>
    tpu.enqueue_indirect_dma source(%dma_start3A_854 : memref<512x16x1024xf32, #tpu.memory_space<hbm>>) target(%arg12 : memref<2x16x1024xf32, #tpu.memory_space<vmem>>) offsets(%dma_start3A_850 : memref<2xi32, #tpu.memory_space<vmem>>) semaphore(%arg15 : memref<!tpu.dma_semaphore, #tpu.memory_space<semaphore_mem>>)
    %dma_wait3A_855 = arith.constant 2 : i32
    %dma_wait3A_856 = arith.constant 0 : i32
    %dma_wait3A_857 = tpu.memref_slice %arg9[%dma_wait3A_855, %dma_wait3A_856] : memref<8x2xi32, #tpu.memory_space<vmem>> -> memref<1x2xi32, #tpu.memory_space<vmem>>
    %dma_wait3A_858 = tpu.memref_squeeze %dma_wait3A_857 : memref<1x2xi32, #tpu.memory_space<vmem>> -> memref<2xi32, #tpu.memory_space<vmem>>
    %dma_wait3A_859 = arith.constant 0 : i32
    %dma_wait3A_860 = arith.constant 0 : i32
    %dma_wait3A_861 = arith.constant 0 : i32
    %dma_wait3A_862 = tpu.memref_slice %arg2[%dma_wait3A_859, %dma_wait3A_860, %dma_wait3A_861] : memref<512x16x1024xf32, #tpu.memory_space<hbm>> -> memref<512x16x1024xf32, #tpu.memory_space<hbm>>
    tpu.wait_indirect_dma semaphore(%arg16 : memref<!tpu.dma_semaphore, #tpu.memory_space<semaphore_mem>>) src(%dma_wait3A_862 : memref<512x16x1024xf32, #tpu.memory_space<hbm>>) dst(%arg13 : memref<2x16x1024xf32, #tpu.memory_space<vmem>>)
    %dma_start3A_863 = arith.constant 2 : i32
    %dma_start3A_864 = arith.constant 0 : i32
    %dma_start3A_865 = tpu.memref_slice %arg10[%dma_start3A_863, %dma_start3A_864] : memref<8x2xi32, #tpu.memory_space<vmem>> -> memref<1x2xi32, #tpu.memory_space<vmem>>
    %dma_start3A_866 = tpu.memref_squeeze %dma_start3A_865 : memref<1x2xi32, #tpu.memory_space<vmem>> -> memref<2xi32, #tpu.memory_space<vmem>>
    %dma_start3A_867 = arith.constant 0 : i32
    %dma_start3A_868 = arith.constant 0 : i32
    %dma_start3A_869 = arith.constant 0 : i32
    %dma_start3A_870 = tpu.memref_slice %arg7[%dma_start3A_867, %dma_start3A_868, %dma_start3A_869] : memref<2048x16x1024xf32, #tpu.memory_space<hbm>> -> memref<2048x16x1024xf32, #tpu.memory_space<hbm>>
    tpu.enqueue_indirect_dma source(%arg13 : memref<2x16x1024xf32, #tpu.memory_space<vmem>>) target(%dma_start3A_870 : memref<2048x16x1024xf32, #tpu.memory_space<hbm>>) offsets(%dma_start3A_866 : memref<2xi32, #tpu.memory_space<vmem>>) semaphore(%arg19 : memref<!tpu.dma_semaphore, #tpu.memory_space<semaphore_mem>>)
    %dma_wait3A_871 = arith.constant 2 : i32
    %dma_wait3A_872 = arith.constant 0 : i32
    %dma_wait3A_873 = tpu.memref_slice %arg10[%dma_wait3A_871, %dma_wait3A_872] : memref<8x2xi32, #tpu.memory_space<vmem>> -> memref<1x2xi32, #tpu.memory_space<vmem>>
    %dma_wait3A_874 = tpu.memref_squeeze %dma_wait3A_873 : memref<1x2xi32, #tpu.memory_space<vmem>> -> memref<2xi32, #tpu.memory_space<vmem>>
    %dma_wait3A_875 = arith.constant 0 : i32
    %dma_wait3A_876 = arith.constant 0 : i32
    %dma_wait3A_877 = arith.constant 0 : i32
    %dma_wait3A_878 = tpu.memref_slice %arg7[%dma_wait3A_875, %dma_wait3A_876, %dma_wait3A_877] : memref<2048x16x1024xf32, #tpu.memory_space<hbm>> -> memref<2048x16x1024xf32, #tpu.memory_space<hbm>>
    tpu.wait_indirect_dma semaphore(%arg19 : memref<!tpu.dma_semaphore, #tpu.memory_space<semaphore_mem>>) src(%arg13 : memref<2x16x1024xf32, #tpu.memory_space<vmem>>) dst(%dma_wait3A_878 : memref<2048x16x1024xf32, #tpu.memory_space<hbm>>)
    %dma_start3A_879 = arith.constant 5 : i32
    %dma_start3A_880 = arith.constant 0 : i32
    %dma_start3A_881 = tpu.memref_slice %arg9[%dma_start3A_879, %dma_start3A_880] : memref<8x2xi32, #tpu.memory_space<vmem>> -> memref<1x2xi32, #tpu.memory_space<vmem>>
    %dma_start3A_882 = tpu.memref_squeeze %dma_start3A_881 : memref<1x2xi32, #tpu.memory_space<vmem>> -> memref<2xi32, #tpu.memory_space<vmem>>
    %dma_start3A_883 = arith.constant 0 : i32
    %dma_start3A_884 = arith.constant 0 : i32
    %dma_start3A_885 = arith.constant 0 : i32
    %dma_start3A_886 = tpu.memref_slice %arg2[%dma_start3A_883, %dma_start3A_884, %dma_start3A_885] : memref<512x16x1024xf32, #tpu.memory_space<hbm>> -> memref<512x16x1024xf32, #tpu.memory_space<hbm>>
    tpu.enqueue_indirect_dma source(%dma_start3A_886 : memref<512x16x1024xf32, #tpu.memory_space<hbm>>) target(%arg13 : memref<2x16x1024xf32, #tpu.memory_space<vmem>>) offsets(%dma_start3A_882 : memref<2xi32, #tpu.memory_space<vmem>>) semaphore(%arg16 : memref<!tpu.dma_semaphore, #tpu.memory_space<semaphore_mem>>)
    %dma_wait3A_887 = arith.constant 3 : i32
    %dma_wait3A_888 = arith.constant 0 : i32
    %dma_wait3A_889 = tpu.memref_slice %arg9[%dma_wait3A_887, %dma_wait3A_888] : memref<8x2xi32, #tpu.memory_space<vmem>> -> memref<1x2xi32, #tpu.memory_space<vmem>>
    %dma_wait3A_890 = tpu.memref_squeeze %dma_wait3A_889 : memref<1x2xi32, #tpu.memory_space<vmem>> -> memref<2xi32, #tpu.memory_space<vmem>>
    %dma_wait3A_891 = arith.constant 0 : i32
    %dma_wait3A_892 = arith.constant 0 : i32
    %dma_wait3A_893 = arith.constant 0 : i32
    %dma_wait3A_894 = tpu.memref_slice %arg2[%dma_wait3A_891, %dma_wait3A_892, %dma_wait3A_893] : memref<512x16x1024xf32, #tpu.memory_space<hbm>> -> memref<512x16x1024xf32, #tpu.memory_space<hbm>>
    tpu.wait_indirect_dma semaphore(%arg14 : memref<!tpu.dma_semaphore, #tpu.memory_space<semaphore_mem>>) src(%dma_wait3A_894 : memref<512x16x1024xf32, #tpu.memory_space<hbm>>) dst(%arg11 : memref<2x16x1024xf32, #tpu.memory_space<vmem>>)
    %dma_start3A_895 = arith.constant 3 : i32
    %dma_start3A_896 = arith.constant 0 : i32
    %dma_start3A_897 = tpu.memref_slice %arg10[%dma_start3A_895, %dma_start3A_896] : memref<8x2xi32, #tpu.memory_space<vmem>> -> memref<1x2xi32, #tpu.memory_space<vmem>>
    %dma_start3A_898 = tpu.memref_squeeze %dma_start3A_897 : memref<1x2xi32, #tpu.memory_space<vmem>> -> memref<2xi32, #tpu.memory_space<vmem>>
    %dma_start3A_899 = arith.constant 0 : i32
    %dma_start3A_900 = arith.constant 0 : i32
    %dma_start3A_901 = arith.constant 0 : i32
    %dma_start3A_902 = tpu.memref_slice %arg7[%dma_start3A_899, %dma_start3A_900, %dma_start3A_901] : memref<2048x16x1024xf32, #tpu.memory_space<hbm>> -> memref<2048x16x1024xf32, #tpu.memory_space<hbm>>
    tpu.enqueue_indirect_dma source(%arg11 : memref<2x16x1024xf32, #tpu.memory_space<vmem>>) target(%dma_start3A_902 : memref<2048x16x1024xf32, #tpu.memory_space<hbm>>) offsets(%dma_start3A_898 : memref<2xi32, #tpu.memory_space<vmem>>) semaphore(%arg17 : memref<!tpu.dma_semaphore, #tpu.memory_space<semaphore_mem>>)
    %dma_wait3A_903 = arith.constant 3 : i32
    %dma_wait3A_904 = arith.constant 0 : i32
    %dma_wait3A_905 = tpu.memref_slice %arg10[%dma_wait3A_903, %dma_wait3A_904] : memref<8x2xi32, #tpu.memory_space<vmem>> -> memref<1x2xi32, #tpu.memory_space<vmem>>
    %dma_wait3A_906 = tpu.memref_squeeze %dma_wait3A_905 : memref<1x2xi32, #tpu.memory_space<vmem>> -> memref<2xi32, #tpu.memory_space<vmem>>
    %dma_wait3A_907 = arith.constant 0 : i32
    %dma_wait3A_908 = arith.constant 0 : i32
    %dma_wait3A_909 = arith.constant 0 : i32
    %dma_wait3A_910 = tpu.memref_slice %arg7[%dma_wait3A_907, %dma_wait3A_908, %dma_wait3A_909] : memref<2048x16x1024xf32, #tpu.memory_space<hbm>> -> memref<2048x16x1024xf32, #tpu.memory_space<hbm>>
    tpu.wait_indirect_dma semaphore(%arg17 : memref<!tpu.dma_semaphore, #tpu.memory_space<semaphore_mem>>) src(%arg11 : memref<2x16x1024xf32, #tpu.memory_space<vmem>>) dst(%dma_wait3A_910 : memref<2048x16x1024xf32, #tpu.memory_space<hbm>>)
    %dma_start3A_911 = arith.constant 6 : i32
    %dma_start3A_912 = arith.constant 0 : i32
    %dma_start3A_913 = tpu.memref_slice %arg9[%dma_start3A_911, %dma_start3A_912] : memref<8x2xi32, #tpu.memory_space<vmem>> -> memref<1x2xi32, #tpu.memory_space<vmem>>
    %dma_start3A_914 = tpu.memref_squeeze %dma_start3A_913 : memref<1x2xi32, #tpu.memory_space<vmem>> -> memref<2xi32, #tpu.memory_space<vmem>>
    %dma_start3A_915 = arith.constant 0 : i32
    %dma_start3A_916 = arith.constant 0 : i32
    %dma_start3A_917 = arith.constant 0 : i32
    %dma_start3A_918 = tpu.memref_slice %arg2[%dma_start3A_915, %dma_start3A_916, %dma_start3A_917] : memref<512x16x1024xf32, #tpu.memory_space<hbm>> -> memref<512x16x1024xf32, #tpu.memory_space<hbm>>
    tpu.enqueue_indirect_dma source(%dma_start3A_918 : memref<512x16x1024xf32, #tpu.memory_space<hbm>>) target(%arg11 : memref<2x16x1024xf32, #tpu.memory_space<vmem>>) offsets(%dma_start3A_914 : memref<2xi32, #tpu.memory_space<vmem>>) semaphore(%arg14 : memref<!tpu.dma_semaphore, #tpu.memory_space<semaphore_mem>>)
    %dma_wait3A_919 = arith.constant 4 : i32
    %dma_wait3A_920 = arith.constant 0 : i32
    %dma_wait3A_921 = tpu.memref_slice %arg9[%dma_wait3A_919, %dma_wait3A_920] : memref<8x2xi32, #tpu.memory_space<vmem>> -> memref<1x2xi32, #tpu.memory_space<vmem>>
    %dma_wait3A_922 = tpu.memref_squeeze %dma_wait3A_921 : memref<1x2xi32, #tpu.memory_space<vmem>> -> memref<2xi32, #tpu.memory_space<vmem>>
    %dma_wait3A_923 = arith.constant 0 : i32
    %dma_wait3A_924 = arith.constant 0 : i32
    %dma_wait3A_925 = arith.constant 0 : i32
    %dma_wait3A_926 = tpu.memref_slice %arg2[%dma_wait3A_923, %dma_wait3A_924, %dma_wait3A_925] : memref<512x16x1024xf32, #tpu.memory_space<hbm>> -> memref<512x16x1024xf32, #tpu.memory_space<hbm>>
    tpu.wait_indirect_dma semaphore(%arg15 : memref<!tpu.dma_semaphore, #tpu.memory_space<semaphore_mem>>) src(%dma_wait3A_926 : memref<512x16x1024xf32, #tpu.memory_space<hbm>>) dst(%arg12 : memref<2x16x1024xf32, #tpu.memory_space<vmem>>)
    %dma_start3A_927 = arith.constant 4 : i32
    %dma_start3A_928 = arith.constant 0 : i32
    %dma_start3A_929 = tpu.memref_slice %arg10[%dma_start3A_927, %dma_start3A_928] : memref<8x2xi32, #tpu.memory_space<vmem>> -> memref<1x2xi32, #tpu.memory_space<vmem>>
    %dma_start3A_930 = tpu.memref_squeeze %dma_start3A_929 : memref<1x2xi32, #tpu.memory_space<vmem>> -> memref<2xi32, #tpu.memory_space<vmem>>
    %dma_start3A_931 = arith.constant 0 : i32
    %dma_start3A_932 = arith.constant 0 : i32
    %dma_start3A_933 = arith.constant 0 : i32
    %dma_start3A_934 = tpu.memref_slice %arg7[%dma_start3A_931, %dma_start3A_932, %dma_start3A_933] : memref<2048x16x1024xf32, #tpu.memory_space<hbm>> -> memref<2048x16x1024xf32, #tpu.memory_space<hbm>>
    tpu.enqueue_indirect_dma source(%arg12 : memref<2x16x1024xf32, #tpu.memory_space<vmem>>) target(%dma_start3A_934 : memref<2048x16x1024xf32, #tpu.memory_space<hbm>>) offsets(%dma_start3A_930 : memref<2xi32, #tpu.memory_space<vmem>>) semaphore(%arg18 : memref<!tpu.dma_semaphore, #tpu.memory_space<semaphore_mem>>)
    %dma_wait3A_935 = arith.constant 4 : i32
    %dma_wait3A_936 = arith.constant 0 : i32
    %dma_wait3A_937 = tpu.memref_slice %arg10[%dma_wait3A_935, %dma_wait3A_936] : memref<8x2xi32, #tpu.memory_space<vmem>> -> memref<1x2xi32, #tpu.memory_space<vmem>>
    %dma_wait3A_938 = tpu.memref_squeeze %dma_wait3A_937 : memref<1x2xi32, #tpu.memory_space<vmem>> -> memref<2xi32, #tpu.memory_space<vmem>>
    %dma_wait3A_939 = arith.constant 0 : i32
    %dma_wait3A_940 = arith.constant 0 : i32
    %dma_wait3A_941 = arith.constant 0 : i32
    %dma_wait3A_942 = tpu.memref_slice %arg7[%dma_wait3A_939, %dma_wait3A_940, %dma_wait3A_941] : memref<2048x16x1024xf32, #tpu.memory_space<hbm>> -> memref<2048x16x1024xf32, #tpu.memory_space<hbm>>
    tpu.wait_indirect_dma semaphore(%arg18 : memref<!tpu.dma_semaphore, #tpu.memory_space<semaphore_mem>>) src(%arg12 : memref<2x16x1024xf32, #tpu.memory_space<vmem>>) dst(%dma_wait3A_942 : memref<2048x16x1024xf32, #tpu.memory_space<hbm>>)
    %dma_start3A_943 = arith.constant 7 : i32
    %dma_start3A_944 = arith.constant 0 : i32
    %dma_start3A_945 = tpu.memref_slice %arg9[%dma_start3A_943, %dma_start3A_944] : memref<8x2xi32, #tpu.memory_space<vmem>> -> memref<1x2xi32, #tpu.memory_space<vmem>>
    %dma_start3A_946 = tpu.memref_squeeze %dma_start3A_945 : memref<1x2xi32, #tpu.memory_space<vmem>> -> memref<2xi32, #tpu.memory_space<vmem>>
    %dma_start3A_947 = arith.constant 0 : i32
    %dma_start3A_948 = arith.constant 0 : i32
    %dma_start3A_949 = arith.constant 0 : i32
    %dma_start3A_950 = tpu.memref_slice %arg2[%dma_start3A_947, %dma_start3A_948, %dma_start3A_949] : memref<512x16x1024xf32, #tpu.memory_space<hbm>> -> memref<512x16x1024xf32, #tpu.memory_space<hbm>>
    tpu.enqueue_indirect_dma source(%dma_start3A_950 : memref<512x16x1024xf32, #tpu.memory_space<hbm>>) target(%arg12 : memref<2x16x1024xf32, #tpu.memory_space<vmem>>) offsets(%dma_start3A_946 : memref<2xi32, #tpu.memory_space<vmem>>) semaphore(%arg15 : memref<!tpu.dma_semaphore, #tpu.memory_space<semaphore_mem>>)
    %dma_wait3A_951 = arith.constant 5 : i32
    %dma_wait3A_952 = arith.constant 0 : i32
    %dma_wait3A_953 = tpu.memref_slice %arg9[%dma_wait3A_951, %dma_wait3A_952] : memref<8x2xi32, #tpu.memory_space<vmem>> -> memref<1x2xi32, #tpu.memory_space<vmem>>
    %dma_wait3A_954 = tpu.memref_squeeze %dma_wait3A_953 : memref<1x2xi32, #tpu.memory_space<vmem>> -> memref<2xi32, #tpu.memory_space<vmem>>
    %dma_wait3A_955 = arith.constant 0 : i32
    %dma_wait3A_956 = arith.constant 0 : i32
    %dma_wait3A_957 = arith.constant 0 : i32
    %dma_wait3A_958 = tpu.memref_slice %arg2[%dma_wait3A_955, %dma_wait3A_956, %dma_wait3A_957] : memref<512x16x1024xf32, #tpu.memory_space<hbm>> -> memref<512x16x1024xf32, #tpu.memory_space<hbm>>
    tpu.wait_indirect_dma semaphore(%arg16 : memref<!tpu.dma_semaphore, #tpu.memory_space<semaphore_mem>>) src(%dma_wait3A_958 : memref<512x16x1024xf32, #tpu.memory_space<hbm>>) dst(%arg13 : memref<2x16x1024xf32, #tpu.memory_space<vmem>>)
    %dma_start3A_959 = arith.constant 5 : i32
    %dma_start3A_960 = arith.constant 0 : i32
    %dma_start3A_961 = tpu.memref_slice %arg10[%dma_start3A_959, %dma_start3A_960] : memref<8x2xi32, #tpu.memory_space<vmem>> -> memref<1x2xi32, #tpu.memory_space<vmem>>
    %dma_start3A_962 = tpu.memref_squeeze %dma_start3A_961 : memref<1x2xi32, #tpu.memory_space<vmem>> -> memref<2xi32, #tpu.memory_space<vmem>>
    %dma_start3A_963 = arith.constant 0 : i32
    %dma_start3A_964 = arith.constant 0 : i32
    %dma_start3A_965 = arith.constant 0 : i32
    %dma_start3A_966 = tpu.memref_slice %arg7[%dma_start3A_963, %dma_start3A_964, %dma_start3A_965] : memref<2048x16x1024xf32, #tpu.memory_space<hbm>> -> memref<2048x16x1024xf32, #tpu.memory_space<hbm>>
    tpu.enqueue_indirect_dma source(%arg13 : memref<2x16x1024xf32, #tpu.memory_space<vmem>>) target(%dma_start3A_966 : memref<2048x16x1024xf32, #tpu.memory_space<hbm>>) offsets(%dma_start3A_962 : memref<2xi32, #tpu.memory_space<vmem>>) semaphore(%arg19 : memref<!tpu.dma_semaphore, #tpu.memory_space<semaphore_mem>>)
    %dma_wait3A_967 = arith.constant 5 : i32
    %dma_wait3A_968 = arith.constant 0 : i32
    %dma_wait3A_969 = tpu.memref_slice %arg10[%dma_wait3A_967, %dma_wait3A_968] : memref<8x2xi32, #tpu.memory_space<vmem>> -> memref<1x2xi32, #tpu.memory_space<vmem>>
    %dma_wait3A_970 = tpu.memref_squeeze %dma_wait3A_969 : memref<1x2xi32, #tpu.memory_space<vmem>> -> memref<2xi32, #tpu.memory_space<vmem>>
    %dma_wait3A_971 = arith.constant 0 : i32
    %dma_wait3A_972 = arith.constant 0 : i32
    %dma_wait3A_973 = arith.constant 0 : i32
    %dma_wait3A_974 = tpu.memref_slice %arg7[%dma_wait3A_971, %dma_wait3A_972, %dma_wait3A_973] : memref<2048x16x1024xf32, #tpu.memory_space<hbm>> -> memref<2048x16x1024xf32, #tpu.memory_space<hbm>>
    tpu.wait_indirect_dma semaphore(%arg19 : memref<!tpu.dma_semaphore, #tpu.memory_space<semaphore_mem>>) src(%arg13 : memref<2x16x1024xf32, #tpu.memory_space<vmem>>) dst(%dma_wait3A_974 : memref<2048x16x1024xf32, #tpu.memory_space<hbm>>)
    %dma_wait3A_975 = arith.constant 6 : i32
    %dma_wait3A_976 = arith.constant 0 : i32
    %dma_wait3A_977 = tpu.memref_slice %arg9[%dma_wait3A_975, %dma_wait3A_976] : memref<8x2xi32, #tpu.memory_space<vmem>> -> memref<1x2xi32, #tpu.memory_space<vmem>>
    %dma_wait3A_978 = tpu.memref_squeeze %dma_wait3A_977 : memref<1x2xi32, #tpu.memory_space<vmem>> -> memref<2xi32, #tpu.memory_space<vmem>>
    %dma_wait3A_979 = arith.constant 0 : i32
    %dma_wait3A_980 = arith.constant 0 : i32
    %dma_wait3A_981 = arith.constant 0 : i32
    %dma_wait3A_982 = tpu.memref_slice %arg2[%dma_wait3A_979, %dma_wait3A_980, %dma_wait3A_981] : memref<512x16x1024xf32, #tpu.memory_space<hbm>> -> memref<512x16x1024xf32, #tpu.memory_space<hbm>>
    tpu.wait_indirect_dma semaphore(%arg14 : memref<!tpu.dma_semaphore, #tpu.memory_space<semaphore_mem>>) src(%dma_wait3A_982 : memref<512x16x1024xf32, #tpu.memory_space<hbm>>) dst(%arg11 : memref<2x16x1024xf32, #tpu.memory_space<vmem>>)
    %dma_start3A_983 = arith.constant 6 : i32
    %dma_start3A_984 = arith.constant 0 : i32
    %dma_start3A_985 = tpu.memref_slice %arg10[%dma_start3A_983, %dma_start3A_984] : memref<8x2xi32, #tpu.memory_space<vmem>> -> memref<1x2xi32, #tpu.memory_space<vmem>>
    %dma_start3A_986 = tpu.memref_squeeze %dma_start3A_985 : memref<1x2xi32, #tpu.memory_space<vmem>> -> memref<2xi32, #tpu.memory_space<vmem>>
    %dma_start3A_987 = arith.constant 0 : i32
    %dma_start3A_988 = arith.constant 0 : i32
    %dma_start3A_989 = arith.constant 0 : i32
    %dma_start3A_990 = tpu.memref_slice %arg7[%dma_start3A_987, %dma_start3A_988, %dma_start3A_989] : memref<2048x16x1024xf32, #tpu.memory_space<hbm>> -> memref<2048x16x1024xf32, #tpu.memory_space<hbm>>
    tpu.enqueue_indirect_dma source(%arg11 : memref<2x16x1024xf32, #tpu.memory_space<vmem>>) target(%dma_start3A_990 : memref<2048x16x1024xf32, #tpu.memory_space<hbm>>) offsets(%dma_start3A_986 : memref<2xi32, #tpu.memory_space<vmem>>) semaphore(%arg17 : memref<!tpu.dma_semaphore, #tpu.memory_space<semaphore_mem>>)
    %dma_wait3A_991 = arith.constant 6 : i32
    %dma_wait3A_992 = arith.constant 0 : i32
    %dma_wait3A_993 = tpu.memref_slice %arg10[%dma_wait3A_991, %dma_wait3A_992] : memref<8x2xi32, #tpu.memory_space<vmem>> -> memref<1x2xi32, #tpu.memory_space<vmem>>
    %dma_wait3A_994 = tpu.memref_squeeze %dma_wait3A_993 : memref<1x2xi32, #tpu.memory_space<vmem>> -> memref<2xi32, #tpu.memory_space<vmem>>
    %dma_wait3A_995 = arith.constant 0 : i32
    %dma_wait3A_996 = arith.constant 0 : i32
    %dma_wait3A_997 = arith.constant 0 : i32
    %dma_wait3A_998 = tpu.memref_slice %arg7[%dma_wait3A_995, %dma_wait3A_996, %dma_wait3A_997] : memref<2048x16x1024xf32, #tpu.memory_space<hbm>> -> memref<2048x16x1024xf32, #tpu.memory_space<hbm>>
    tpu.wait_indirect_dma semaphore(%arg17 : memref<!tpu.dma_semaphore, #tpu.memory_space<semaphore_mem>>) src(%arg11 : memref<2x16x1024xf32, #tpu.memory_space<vmem>>) dst(%dma_wait3A_998 : memref<2048x16x1024xf32, #tpu.memory_space<hbm>>)
    %dma_wait3A_999 = arith.constant 7 : i32
    %dma_wait3A_1000 = arith.constant 0 : i32
    %dma_wait3A_1001 = tpu.memref_slice %arg9[%dma_wait3A_999, %dma_wait3A_1000] : memref<8x2xi32, #tpu.memory_space<vmem>> -> memref<1x2xi32, #tpu.memory_space<vmem>>
    %dma_wait3A_1002 = tpu.memref_squeeze %dma_wait3A_1001 : memref<1x2xi32, #tpu.memory_space<vmem>> -> memref<2xi32, #tpu.memory_space<vmem>>
    %dma_wait3A_1003 = arith.constant 0 : i32
    %dma_wait3A_1004 = arith.constant 0 : i32
    %dma_wait3A_1005 = arith.constant 0 : i32
    %dma_wait3A_1006 = tpu.memref_slice %arg2[%dma_wait3A_1003, %dma_wait3A_1004, %dma_wait3A_1005] : memref<512x16x1024xf32, #tpu.memory_space<hbm>> -> memref<512x16x1024xf32, #tpu.memory_space<hbm>>
    tpu.wait_indirect_dma semaphore(%arg15 : memref<!tpu.dma_semaphore, #tpu.memory_space<semaphore_mem>>) src(%dma_wait3A_1006 : memref<512x16x1024xf32, #tpu.memory_space<hbm>>) dst(%arg12 : memref<2x16x1024xf32, #tpu.memory_space<vmem>>)
    %dma_start3A_1007 = arith.constant 7 : i32
    %dma_start3A_1008 = arith.constant 0 : i32
    %dma_start3A_1009 = tpu.memref_slice %arg10[%dma_start3A_1007, %dma_start3A_1008] : memref<8x2xi32, #tpu.memory_space<vmem>> -> memref<1x2xi32, #tpu.memory_space<vmem>>
    %dma_start3A_1010 = tpu.memref_squeeze %dma_start3A_1009 : memref<1x2xi32, #tpu.memory_space<vmem>> -> memref<2xi32, #tpu.memory_space<vmem>>
    %dma_start3A_1011 = arith.constant 0 : i32
    %dma_start3A_1012 = arith.constant 0 : i32
    %dma_start3A_1013 = arith.constant 0 : i32
    %dma_start3A_1014 = tpu.memref_slice %arg7[%dma_start3A_1011, %dma_start3A_1012, %dma_start3A_1013] : memref<2048x16x1024xf32, #tpu.memory_space<hbm>> -> memref<2048x16x1024xf32, #tpu.memory_space<hbm>>
    tpu.enqueue_indirect_dma source(%arg12 : memref<2x16x1024xf32, #tpu.memory_space<vmem>>) target(%dma_start3A_1014 : memref<2048x16x1024xf32, #tpu.memory_space<hbm>>) offsets(%dma_start3A_1010 : memref<2xi32, #tpu.memory_space<vmem>>) semaphore(%arg18 : memref<!tpu.dma_semaphore, #tpu.memory_space<semaphore_mem>>)
    %dma_wait3A_1015 = arith.constant 7 : i32
    %dma_wait3A_1016 = arith.constant 0 : i32
    %dma_wait3A_1017 = tpu.memref_slice %arg10[%dma_wait3A_1015, %dma_wait3A_1016] : memref<8x2xi32, #tpu.memory_space<vmem>> -> memref<1x2xi32, #tpu.memory_space<vmem>>
    %dma_wait3A_1018 = tpu.memref_squeeze %dma_wait3A_1017 : memref<1x2xi32, #tpu.memory_space<vmem>> -> memref<2xi32, #tpu.memory_space<vmem>>
    %dma_wait3A_1019 = arith.constant 0 : i32
    %dma_wait3A_1020 = arith.constant 0 : i32
    %dma_wait3A_1021 = arith.constant 0 : i32
    %dma_wait3A_1022 = tpu.memref_slice %arg7[%dma_wait3A_1019, %dma_wait3A_1020, %dma_wait3A_1021] : memref<2048x16x1024xf32, #tpu.memory_space<hbm>> -> memref<2048x16x1024xf32, #tpu.memory_space<hbm>>
    tpu.wait_indirect_dma semaphore(%arg18 : memref<!tpu.dma_semaphore, #tpu.memory_space<semaphore_mem>>) src(%arg12 : memref<2x16x1024xf32, #tpu.memory_space<vmem>>) dst(%dma_wait3A_1022 : memref<2048x16x1024xf32, #tpu.memory_space<hbm>>)
    return
  }
}

</mosaic_0001>

<sc_bundles>
// kernel: kernel.3.cloned.1.call-start
scs
__scs_entry_jumppad:
0x0: {  	(pc) =	sbr.rel $0x88, $3  }
0x1: {  	(tag) =	ssettag $0x0;
	lr =	simm.s32 $0x1  }
0x2: {  	[smem:$0x3F9E] =	sst lr;
	_ =	strace $0xD0000000  }
0x3: {  	_ = 	snop  }
0x4: {  	_ = 	snop  }
0x5: {  	_ = 	snop  }
0x6: {  	_ = 	snop  }
0x7: {  	_ = 	snop  }
__scs_overlays_trampoline_lowered:
0x8: {  	[smem:$0x3FAD] =	sst s0  }
0x9: {  	[smem:$0x3FAE] =	sst s1  }
0xa: {  	[smem:$0x3FAF] =	sst s2  }
0xb: {  	[smem:$0x3FB0] =	sst s3  }
0xc: {  	[smem:$0x3FB1] =	sst s4  }
0xd: {  	[smem:$0x3FB2] =	sst s5  }
0xe: {  	[smem:$0x3FB3] =	sst s6  }
0xf: {  	[smem:$0x3FB4] =	sst s7  }
0x10: {  	[smem:$0x3FB5] =	sst s8  }
0x11: {  	[smem:$0x3FB6] =	sst s9;
	s0 =	simm.s32 @!p0 $0x0  }
0x12: {  	s1 =	sld [smem:$0x3F9C];
	s0 =	simm.s32 @p0 $0x1  }
0x13: {  	[smem:$0x3FB7] =	sst s0;
	s0 =	simm.s32 @!p1 $0x0  }
0x14: {  	s2 =	sld [smem:$0x3F9B];
	s0 =	simm.s32 @p1 $0x1  }
0x15: {  	[smem:$0x3FB8] =	sst s0;
	s0 =	simm.s32 @!p2 $0x0  }
0x16: {  	s3 =	sld [smem:$0x3FDB];
	s0 =	simm.s32 @p2 $0x1  }
0x17: {  	s4 =	simm.s32 $0x1BF5;
	[smem:$0x3FBA] =	sst s0  }
0x18: {  	s0 =	sld [smem:$0x3F9D];
	_ =	swait.ge [sflag:s4], $0x0  }
0x19: {  	s7 =	sld [smem:$0x3F9E]  }
0x1a: {  	s8 =	sadd.s32 $0xFFFFE003, lr  }
0x1b: {  	s9 =	sadd.s32 $0xFFFFFEF7, lr;
	s5 =	simm.s32 $0xFFFFFFFF;
	p2 =	slt.u32 s8, $0xFFFFF086  }
0x1c: {  	p1 =	slt.u32 s9, $0xF7A;
	s5 =	simm.s32 @!p2 $0x0  }
0x1d: {  	s5 =	simm.s32 @p1 $0x1;
	p0 =	seq.s32 s7, s2  }
0x1e: {  	s7 =	smul.u32 @!p0 $0xF7A, s2;
	p2 =	seq.s32 @!p0 s5, $0x0  }
0x1f: {  	s9 =	smul.u32 $0xF7A, s1;
	s8 =	simm.s32 @!p0 $0x1BF5;
	p2 =	por !p2, p0  }
0x20: {  	[sflag:s8] =	ssyncset.s32 @!p0 $0xFFFFF086;
	s6 =	sadd.s32 @!p0 s3, s7;
	s7 =	simm.s32 @!p0 $0x108  }
0x21: {  	s3 =	sadd.s32 s3, s9;
	s6 =	sadd.s32 @!p0 $0x88, s6;
	s7 =	simm.s32 @p2 $0x1082  }
0x22: {  	[simem:s7], [sflag:s8] =	dma.local @!p0 [hbm:s6], $0xF7A  }
0x23: {  	s9 =	sor.u32 $0xD0000000, s2;
	s6 =	simm.s32 $0x108;
	_ =	swait.ge @!p0 [sflag:s8], $0x0  }
0x24: {  	s3 =	sadd.s32 $0x88, s3;
	s6 =	simm.s32 @!p1 $0x1082;
	[sflag:s4] =	ssyncset.s32 $0xFFFFF086  }
0x25: {  	[simem:s6], [sflag:s4] =	dma.local [hbm:s3], $0xF7A  }
0x26: {  	[smem:$0x3F9E] =	sst s1;
	(tag) =	ssettag s2;
	_ =	strace s9  }
0x27: {  	s1 =	sld [smem:$0x3FAE]  }
0x28: {  	s2 =	sld [smem:$0x3FAF]  }
0x29: {  	s4 =	sld [smem:$0x3FB1]  }
0x2a: {  	p0 =	seq.s32 s5, $0x0;
	s5 =	sld [smem:$0x3FB2]  }
0x2b: {  	s6 =	sld [smem:$0x3FB3]  }
0x2c: {  	s7 =	sld [smem:$0x3FB4]  }
0x2d: {  	s3 =	simm.s32 $0x108;
	s8 =	sld [smem:$0x3FB5]  }
0x2e: {  	s3 =	simm.s32 @!p0 $0x1082;
	s9 =	sld [smem:$0x3FB6]  }
0x2f: {  	lr =	sadd.s32 s0, s3;
	s0 =	sld [smem:$0x3FAD]  }
0x30: {  	s3 =	sld [smem:$0x3FB0]  }
0x31: {  	[smem:$0x3FB9] =	sst s10  }
0x32: {  	s10 =	sld [smem:$0x3FB7];
	_ =	sdelay $0x3  }
0x33: {  	p0 =	seq.s32 s10, $0x1;
	s10 =	sld [smem:$0x3FB9];
	_ =	sdelay $0x3  }
0x34: {  	[smem:$0x3FB9] =	sst s10  }
0x35: {  	s10 =	sld [smem:$0x3FB8];
	_ =	sdelay $0x3  }
0x36: {  	p1 =	seq.s32 s10, $0x1;
	s10 =	sld [smem:$0x3FB9];
	_ =	sdelay $0x3  }
0x37: {  	[smem:$0x3FB9] =	sst s10  }
0x38: {  	s10 =	sld [smem:$0x3FBA]  }
0x39: {  	_ = 	snop;
	(pc) =	sbr.ind lr, $3  }
0x3a: {  	_ = 	snop  }
0x3b: {  	_ = 	snop  }
0x3c: {  	p2 =	seq.s32 s10, $0x1;
	s10 =	sld [smem:$0x3FB9]  }
0x3d: {  	_ =	shalt  }
0x3e: {  	_ =	shalt  }
0x3f: {  	_ =	shalt  }
0x40: {  	_ =	shalt  }
0x41: {  	_ =	shalt  }
0x42: {  	_ =	shalt  }
0x43: {  	_ =	shalt  }
0x44: {  	_ =	shalt  }
0x45: {  	_ =	shalt  }
0x46: {  	_ =	shalt  }
0x47: {  	_ =	shalt  }
0x48: {  	_ =	shalt  }
0x49: {  	_ =	shalt  }
0x4a: {  	_ =	shalt  }
0x4b: {  	_ =	shalt  }
0x4c: {  	_ =	shalt  }
0x4d: {  	_ =	shalt  }
0x4e: {  	_ =	shalt  }
0x4f: {  	_ =	shalt  }
0x50: {  	_ =	shalt  }
0x51: {  	_ =	shalt  }
0x52: {  	_ =	shalt  }
0x53: {  	_ =	shalt  }
0x54: {  	_ =	shalt  }
0x55: {  	_ =	shalt  }
0x56: {  	_ =	shalt  }
0x57: {  	_ =	shalt  }
0x58: {  	_ =	shalt  }
0x59: {  	_ =	shalt  }
0x5a: {  	_ =	shalt  }
0x5b: {  	_ =	shalt  }
0x5c: {  	_ =	shalt  }
0x5d: {  	_ =	shalt  }
0x5e: {  	_ =	shalt  }
0x5f: {  	_ =	shalt  }
0x60: {  	_ =	shalt  }
0x61: {  	_ =	shalt  }
0x62: {  	_ =	shalt  }
0x63: {  	_ =	shalt  }
0x64: {  	_ =	shalt  }
0x65: {  	_ =	shalt  }
0x66: {  	_ =	shalt  }
0x67: {  	_ =	shalt  }
0x68: {  	_ =	shalt  }
0x69: {  	_ =	shalt  }
0x6a: {  	_ =	shalt  }
0x6b: {  	_ =	shalt  }
0x6c: {  	_ =	shalt  }
0x6d: {  	_ =	shalt  }
0x6e: {  	_ =	shalt  }
0x6f: {  	_ =	shalt  }
0x70: {  	_ =	shalt  }
0x71: {  	_ =	shalt  }
0x72: {  	_ =	shalt  }
0x73: {  	_ =	shalt  }
0x74: {  	_ =	shalt  }
0x75: {  	_ =	shalt  }
0x76: {  	_ =	shalt  }
0x77: {  	_ =	shalt  }
0x78: {  	_ =	shalt  }
0x79: {  	_ =	shalt  }
0x7a: {  	_ =	shalt  }
0x7b: {  	_ =	shalt  }
0x7c: {  	_ =	shalt  }
0x7d: {  	_ =	shalt  }
0x7e: {  	_ =	shalt  }
0x7f: {  	_ =	shalt  }
0x80: {  	_ =	shalt  }
0x81: {  	_ =	shalt  }
0x82: {  	_ =	shalt  }
0x83: {  	_ =	shalt  }
0x84: {  	_ =	shalt  }
0x85: {  	_ =	shalt  }
0x86: {  	_ =	shalt  }
0x87: {  	_ =	shalt  }
.Lfunc_end0:
.L_simem_size_0:
called_computation_lowered:
.L_overlay_start_0:
0x88: {  	s2 =	sld [smem:$0x3FD9]  }
0x89: {  	s3 =	sld [smem:$0x3FFE];
	_ =	sdelay $0x1  }
0x8a: {  	s1 =	srdreg.scid  }
0x8b: {  	s0 =	sand.u32 $0x1, s1  }
0x8c: {  	s17 =	sshll.u32 s0, $0xA;
	s2 =	sadd.s32 s3, s2  }
0x8d: {  	s2 =	sadd.s32 s2, s17  }
0x8e: {  	[smem:$0x3FC5] =	sst s2  }
0x8f: {  	_ = 	snop  }
0x90: {  	s2 =	sld [smem:$0x3FC9]  }
0x91: {  	s18 =	sld [smem:$0x3FC8]  }
0x92: {  	s4 =	sld [smem:$0x3FD0];
	(tm) =	ssettm $0x1  }
0x93: {  	s5 =	sld [smem:$0x3FFB];
	_ =	sdelay $0x3  }
0x94: {  	_ =	strace s5  }
0x95: {  	s5 =	sld [smem:$0x3FFC];
	_ =	sdelay $0x3  }
0x96: {  	_ =	strace s5  }
0x97: {  	s5 =	sld [smem:$0x3FFD];
	_ =	sdelay $0x3  }
0x98: {  	_ =	strace s5  }
0x99: {  	_ =	strace $0x8FFFFFFF  }
0x9a: {  	s19 =	sld [smem:$0x3FDB];
	_ =	sdelay $0x1  }
0x9b: {  	s6 =	simm.s32 $_scs_section_size  }
0x9c: {  	s7 =	simm.s32 $_size__tile_overlayer_lowered;
	s8 =	simm.s32 $_tile_overlayer_lowered  }
0x9d: {  	s22 =	simm.s32 $0x1BFF;
	s21 =	sshll.u32 s8, $0x1;
	s5 =	sadd.s32 s6, s19  }
0x9e: {  	s9 =	simm.s32 $0x0;
	s20 =	sshll.u32 s7, $0x1;
	s7 =	sadd.s32 s21, s5  }
0x9f: {  	[timem:s9], [sflag:s22] =	dma.local [hbm:s7], s20  }
0xa0: {  	_ =	swait.ge [sflag:s22], s20  }
0xa1: {  	s6 =	ssub.s32 $0x0, s20;
	[sflag:s22] =	ssyncset.done $0x0  }
0xa2: {  	[sflag:s22] =	ssyncadd.s32 s6;
	_ =	sdelay $0x1  }
0xa3: {  	s23 =	simm.s32 $0x1B8B  }
0xa4: {  	_ =	swait.ge [sflag:s23], $0x1  }
0xa5: {  	[sflag:s23] =	ssyncset.done $0x0  }
0xa6: {  	s25 =	simm.s32 $0x1B8E;
	s24 =	sld [smem:$0x3FFE];
	[sflag:s23] =	ssyncadd.s32 $0xFFFFFFFF  }
0xa7: {  	s26 =	simm.s32 $execute0_lowered;
	[smem:$0x3FD2] =	sst s25  }
0xa8: {  	s7 =	sshll.u32 s26, $0x1;
	_ =	strace $0x80000046;
	[dreg:$0x1] =	wrdreg $0xFFFFFFFF  }
0xa9: {  	s28 =	simm.s32 $_size_execute0_lowered;
	s5 =	sadd.s32 s5, s7;
	[dreg:$0x0] =	wrdreg $0x0  }
0xaa: {  	s7 =	sshll.u32 s28, $0x1;
	[dreg:$0x2] =	wrdreg s5  }
0xab: {  	[dreg:$0x3] =	wrdreg s7  }
0xac: {  	[dreg:$0x4] =	wrdreg $0xC0  }
0xad: {  	_ =	task [dreg:s9], $0x5FFFF  }
0xae: {  	[dreg:$0x1] =	wrdreg $0xFFFFFFFF  }
0xaf: {  	[dreg:$0x0] =	wrdreg $0x60  }
0xb0: {  	[dreg:$0x2] =	wrdreg s2  }
0xb1: {  	[dreg:$0x3] =	wrdreg s18  }
0xb2: {  	[dreg:$0x4] =	wrdreg s24  }
0xb3: {  	[dreg:$0x5] =	wrdreg s4  }
0xb4: {  	[dreg:$0x6] =	wrdreg $0x9  }
0xb5: {  	_ =	task.clear_ibuf [dreg:s9], $0x7FFFF;
	_ =	strace $0x90000046  }
0xb6: {  	s29 =	simm.s32 $0x9;
	_ =	strace $0x80000048  }
0xb7: {  	_ =	swait.ge [sflag:s29], $0x1  }
0xb8: {  	[sflag:s29] =	ssyncadd.s32 $0xFFFFFFFF  }
0xb9: {  	_ =	strace $0x90000048  }
0xba: {  	_ =	sfence  }
0xbb: {  	s30 =	sld [smem:$0x0];
	_ =	sdelay $0x2  }
0xbc: {  	s31 =	sshll.u32 s1, $0xD;
	s1 =	sshrl.u32 s1, $0x2  }
0xbd: {  	s3 =	sand.u32 $0x4000, s31;
	s1 =	sadd.s32 s1, s30  }
0xbe: {  	s0 =	sor.u32 s3, s0;
	s1 =	sshll.u32 s1, $0x11  }
0xbf: {  	s0 =	sor.u32 s1, s0  }
0xc0: {  	s0 =	sadd.s32 $0x8F2B, s0  }
0xc1: {  	[sflag:s0] =	ssyncadd.remote.s32 $0x1  }
0xc2: {  	_ =	sfence.sel $0xFFFF  }
0xc3: {  	[dreg:$0x0] =	wrdreg $0xFFFFFFFF;
	(pc) =	sbr.abs _section_cstart, $3  }
0xc4: {  	[dreg:$0x1] =	wrdreg $0xFFFFFFFF  }
0xc5: {  	_ =	task.clear_ibuf [dreg:s9], $0x2FFFF;
	_ =	strace $0x9FFFFFFF  }
0xc6: {  	(tm) =	ssettm $0x7FFFFFFF  }
0xc7: {  	_ =	shalt  }
tec
execute0_lowered:
.L_overlay_start_1:
0x0: {  	(tag) =	ssettag $0x1  }
0x1: {  	s1 =	rddreg [dreg:$0x0]  }
0x2: {  	s2 =	rddreg [dreg:$0x1]  }
0x3: {  	s6 =	rddreg [dreg:$0x2]  }
0x4: {  	s3 =	srdreg.scid;
	s0 =	stileid.u32  }
0x5: {  	s4 =	rddreg [dreg:$0x3];
	s5 =	simm.s32 $0x0;
	s11 =	simm.s32 $0xC00  }
0x6: {  	s12 =	simm.s32 $0x1000;
	s13 =	simm.s32 $0x1400;
	s14 =	simm.s32 $0x9400  }
0x7: {  	s15 =	simm.s32 $0x11400;
	s16 =	simm.s32 $0x1;
	s17 =	simm.s32 $0x4  }
0x8: {  	s18 =	simm.s32 $0x2;
	s7 =	sand.u32 $0x1, s3;
	s8 =	sshll.u32 s0, $0x1  }
0x9: {  	s19 =	simm.s32 $0x5;
	s20 =	simm.s32 $0x3;
	s8 =	sor.u32 s7, s8  }
0xa: {  	s21 =	simm.s32 $0x6;
	[smem:$0x7FF] =	sst s5;
	s9 =	smul.u32 $0x180, s8  }
0xb: {  	s3 =	rddreg [dreg:$0x4];
	s7 =	ssub.s32 $0x2, s7;
	_ =	strace $0x80000047  }
0xc: {  	s10 =	sshrl.u32 s7, $0x1;
	s8 =	sshll.u32 s8, $0x7;
	s9 =	sadd.s32 s9, s6  }
0xd: {  	s10 =	ssub.s32 s7, s10;
	s6 =	sadd.s32 s6, s8;
	s7 =	sadd.s32 $0x2000, s9  }
0xe: {  	vm0 =	vmmov $0x3;
	v0 =	vlaneseq.u32;
	s8 =	sadd.s32 $0x1000, s6;
	s9 =	smax.u32 s10, $0x1;
	s10 =	simm.s32 $0x7  }
.LBB2_1:
0xf: {  	[tilespmem:s5], [sflag:$0x7] =	stream.linear.gather [hbm4b:s7+s5], $0xC00, $0x38;
	[tilespmem:$0x19400] =	vst v63  }
0x10: {  	_ =	swait.ge [sflag:s10], $0xC00  }
0x11: {  	[sflag:s10] =	ssyncset.done $0x0  }
0x12: {  	[sflag:s10] =	ssyncadd.s32 $0xFFFFF400  }
0x13: {  	[tilespmem:s11], [sflag:$0x7] =	stream.linear.gather [hbm4b:s6+s5], $0x400, $0x38;
	[tilespmem:$0x19400] =	vst v63  }
0x14: {  	_ =	swait.ge [sflag:s10], $0x400  }
0x15: {  	[sflag:s10] =	ssyncset.done $0x0  }
0x16: {  	[sflag:s10] =	ssyncadd.s32 $0xFFFFFC00  }
0x17: {  	[tilespmem:s12], [sflag:$0x7] =	stream.linear.gather [hbm4b:s8+s5], $0x400, $0x38;
	[tilespmem:$0x19400] =	vst v63  }
0x18: {  	_ =	swait.ge [sflag:s10], $0x400  }
0x19: {  	[sflag:s10] =	ssyncset.done $0x0  }
0x1a: {  	[sflag:s10] =	ssyncadd.s32 $0xFFFFFC00  }
0x1b: {  	v1 =	vld.msk [tilespmem:$0x0], $0x3;
	_ =	sdelay $0x4  }
0x1c: {  	v1 =	vshll.u32 v1, $0xE  }
0x1d: {  	v1 =	vperm.xlane v1, v0;
	_ =	sdelay $0x5  }
0x1e: {  	[tilespmem:s13], [sflag:$0x1] =	stream.indirect_vreg.gather [hbm4b:s2+s5], $0x4000, v1, vm0, $0x38;
	[tilespmem:$0x19400] =	vst v63  }
0x1f: {  	v1 =	vld.msk [tilespmem:$0x80], $0x3;
	_ =	sdelay $0x4  }
0x20: {  	v1 =	vshll.u32 v1, $0xE  }
0x21: {  	v1 =	vperm.xlane v1, v0;
	_ =	sdelay $0x5  }
0x22: {  	[tilespmem:s14], [sflag:$0x2] =	stream.indirect_vreg.gather [hbm4b:s2+s5], $0x4000, v1, vm0, $0x38;
	[tilespmem:$0x19400] =	vst v63  }
0x23: {  	v1 =	vld.msk [tilespmem:$0x100], $0x3;
	_ =	sdelay $0x4  }
0x24: {  	v1 =	vshll.u32 v1, $0xE  }
0x25: {  	v1 =	vperm.xlane v1, v0;
	_ =	sdelay $0x5  }
0x26: {  	[tilespmem:s15], [sflag:$0x3] =	stream.indirect_vreg.gather [hbm4b:s2+s5], $0x4000, v1, vm0, $0x38;
	[tilespmem:$0x19400] =	vst v63  }
0x27: {  	_ =	swait.ge [sflag:s16], $0x8000  }
0x28: {  	[sflag:s16] =	ssyncset.done $0x0  }
0x29: {  	[sflag:s16] =	ssyncadd.s32 $0xFFFF8000  }
0x2a: {  	v1 =	vld.msk [tilespmem:$0x0], $0x3;
	_ =	sdelay $0x4  }
0x2b: {  	v1 =	vshll.u32 v1, $0xE  }
0x2c: {  	v1 =	vperm.xlane v1, v0;
	_ =	sdelay $0x5  }
0x2d: {  	[hbm4b:s4+s5] =	stream.indirect_vreg.scatter [tilespmem:s13], [sflag:$0x4], $0x4000, v1, vm0, $0x38;
	[tilespmem:$0x19400] =	vst v63  }
0x2e: {  	_ =	swait.ge [sflag:s17], $0x8000  }
0x2f: {  	[sflag:s17] =	ssyncset.done $0x0  }
0x30: {  	[sflag:s17] =	ssyncadd.s32 $0xFFFF8000  }
0x31: {  	v1 =	vld.msk [tilespmem:$0x180], $0x3;
	_ =	sdelay $0x4  }
0x32: {  	v1 =	vshll.u32 v1, $0xE  }
0x33: {  	v1 =	vperm.xlane v1, v0;
	_ =	sdelay $0x5  }
0x34: {  	[tilespmem:s13], [sflag:$0x1] =	stream.indirect_vreg.gather [hbm4b:s2+s5], $0x4000, v1, vm0, $0x38;
	[tilespmem:$0x19400] =	vst v63  }
0x35: {  	_ =	swait.ge [sflag:s18], $0x8000  }
0x36: {  	[sflag:s18] =	ssyncset.done $0x0  }
0x37: {  	[sflag:s18] =	ssyncadd.s32 $0xFFFF8000  }
0x38: {  	v1 =	vld.msk [tilespmem:$0x80], $0x3;
	_ =	sdelay $0x4  }
0x39: {  	v1 =	vshll.u32 v1, $0xE  }
0x3a: {  	v1 =	vperm.xlane v1, v0;
	_ =	sdelay $0x5  }
0x3b: {  	[hbm4b:s4+s5] =	stream.indirect_vreg.scatter [tilespmem:s14], [sflag:$0x5], $0x4000, v1, vm0, $0x38;
	[tilespmem:$0x19400] =	vst v63  }
0x3c: {  	_ =	swait.ge [sflag:s19], $0x8000  }
0x3d: {  	[sflag:s19] =	ssyncset.done $0x0  }
0x3e: {  	[sflag:s19] =	ssyncadd.s32 $0xFFFF8000  }
0x3f: {  	v1 =	vld.msk [tilespmem:$0x200], $0x3;
	_ =	sdelay $0x4  }
0x40: {  	v1 =	vshll.u32 v1, $0xE  }
0x41: {  	v1 =	vperm.xlane v1, v0;
	_ =	sdelay $0x5  }
0x42: {  	[tilespmem:s14], [sflag:$0x2] =	stream.indirect_vreg.gather [hbm4b:s2+s5], $0x4000, v1, vm0, $0x38;
	[tilespmem:$0x19400] =	vst v63  }
0x43: {  	_ =	swait.ge [sflag:s20], $0x8000  }
0x44: {  	[sflag:s20] =	ssyncset.done $0x0  }
0x45: {  	[sflag:s20] =	ssyncadd.s32 $0xFFFF8000  }
0x46: {  	v1 =	vld.msk [tilespmem:$0x100], $0x3;
	_ =	sdelay $0x4  }
0x47: {  	v1 =	vshll.u32 v1, $0xE  }
0x48: {  	v1 =	vperm.xlane v1, v0;
	_ =	sdelay $0x5  }
0x49: {  	[hbm4b:s4+s5] =	stream.indirect_vreg.scatter [tilespmem:s15], [sflag:$0x6], $0x4000, v1, vm0, $0x38;
	[tilespmem:$0x19400] =	vst v63  }
0x4a: {  	_ =	swait.ge [sflag:s21], $0x8000  }
0x4b: {  	[sflag:s21] =	ssyncset.done $0x0  }
0x4c: {  	[sflag:s21] =	ssyncadd.s32 $0xFFFF8000  }
0x4d: {  	v1 =	vld.msk [tilespmem:$0x280], $0x3;
	_ =	sdelay $0x4  }
0x4e: {  	v1 =	vshll.u32 v1, $0xE  }
0x4f: {  	v1 =	vperm.xlane v1, v0;
	_ =	sdelay $0x5  }
0x50: {  	[tilespmem:s15], [sflag:$0x3] =	stream.indirect_vreg.gather [hbm4b:s2+s5], $0x4000, v1, vm0, $0x38;
	[tilespmem:$0x19400] =	vst v63  }
0x51: {  	_ =	swait.ge [sflag:s16], $0x8000  }
0x52: {  	[sflag:s16] =	ssyncset.done $0x0  }
0x53: {  	[sflag:s16] =	ssyncadd.s32 $0xFFFF8000  }
0x54: {  	v1 =	vld.msk [tilespmem:$0x180], $0x3;
	_ =	sdelay $0x4  }
0x55: {  	v1 =	vshll.u32 v1, $0xE  }
0x56: {  	v1 =	vperm.xlane v1, v0;
	_ =	sdelay $0x5  }
0x57: {  	[hbm4b:s4+s5] =	stream.indirect_vreg.scatter [tilespmem:s13], [sflag:$0x4], $0x4000, v1, vm0, $0x38;
	[tilespmem:$0x19400] =	vst v63  }
0x58: {  	_ =	swait.ge [sflag:s17], $0x8000  }
0x59: {  	[sflag:s17] =	ssyncset.done $0x0  }
0x5a: {  	[sflag:s17] =	ssyncadd.s32 $0xFFFF8000  }
0x5b: {  	v1 =	vld.msk [tilespmem:$0x300], $0x3;
	_ =	sdelay $0x4  }
0x5c: {  	v1 =	vshll.u32 v1, $0xE  }
0x5d: {  	v1 =	vperm.xlane v1, v0;
	_ =	sdelay $0x5  }
0x5e: {  	[tilespmem:s13], [sflag:$0x1] =	stream.indirect_vreg.gather [hbm4b:s2+s5], $0x4000, v1, vm0, $0x38;
	[tilespmem:$0x19400] =	vst v63  }
0x5f: {  	_ =	swait.ge [sflag:s18], $0x8000  }
0x60: {  	[sflag:s18] =	ssyncset.done $0x0  }
0x61: {  	[sflag:s18] =	ssyncadd.s32 $0xFFFF8000  }
0x62: {  	v1 =	vld.msk [tilespmem:$0x200], $0x3;
	_ =	sdelay $0x4  }
0x63: {  	v1 =	vshll.u32 v1, $0xE  }
0x64: {  	v1 =	vperm.xlane v1, v0;
	_ =	sdelay $0x5  }
0x65: {  	[hbm4b:s4+s5] =	stream.indirect_vreg.scatter [tilespmem:s14], [sflag:$0x5], $0x4000, v1, vm0, $0x38;
	[tilespmem:$0x19400] =	vst v63  }
0x66: {  	_ =	swait.ge [sflag:s19], $0x8000  }
0x67: {  	[sflag:s19] =	ssyncset.done $0x0  }
0x68: {  	[sflag:s19] =	ssyncadd.s32 $0xFFFF8000  }
0x69: {  	v1 =	vld.msk [tilespmem:$0x380], $0x3;
	_ =	sdelay $0x4  }
0x6a: {  	v1 =	vshll.u32 v1, $0xE  }
0x6b: {  	v1 =	vperm.xlane v1, v0;
	_ =	sdelay $0x5  }
0x6c: {  	[tilespmem:s14], [sflag:$0x2] =	stream.indirect_vreg.gather [hbm4b:s2+s5], $0x4000, v1, vm0, $0x38;
	[tilespmem:$0x19400] =	vst v63  }
0x6d: {  	_ =	swait.ge [sflag:s20], $0x8000  }
0x6e: {  	[sflag:s20] =	ssyncset.done $0x0  }
0x6f: {  	[sflag:s20] =	ssyncadd.s32 $0xFFFF8000  }
0x70: {  	v1 =	vld.msk [tilespmem:$0x280], $0x3;
	_ =	sdelay $0x4  }
0x71: {  	v1 =	vshll.u32 v1, $0xE  }
0x72: {  	v1 =	vperm.xlane v1, v0;
	_ =	sdelay $0x5  }
0x73: {  	[hbm4b:s4+s5] =	stream.indirect_vreg.scatter [tilespmem:s15], [sflag:$0x6], $0x4000, v1, vm0, $0x38;
	[tilespmem:$0x19400] =	vst v63  }
0x74: {  	_ =	swait.ge [sflag:s21], $0x8000  }
0x75: {  	[sflag:s21] =	ssyncset.done $0x0  }
0x76: {  	[sflag:s21] =	ssyncadd.s32 $0xFFFF8000  }
0x77: {  	v1 =	vld.msk [tilespmem:$0x400], $0x3;
	_ =	sdelay $0x4  }
0x78: {  	v1 =	vshll.u32 v1, $0xE  }
0x79: {  	v1 =	vperm.xlane v1, v0;
	_ =	sdelay $0x5  }
0x7a: {  	[tilespmem:s15], [sflag:$0x3] =	stream.indirect_vreg.gather [hbm4b:s2+s5], $0x4000, v1, vm0, $0x38;
	[tilespmem:$0x19400] =	vst v63  }
0x7b: {  	_ =	swait.ge [sflag:s16], $0x8000  }
0x7c: {  	[sflag:s16] =	ssyncset.done $0x0  }
0x7d: {  	[sflag:s16] =	ssyncadd.s32 $0xFFFF8000  }
0x7e: {  	v1 =	vld.msk [tilespmem:$0x300], $0x3;
	_ =	sdelay $0x4  }
0x7f: {  	v1 =	vshll.u32 v1, $0xE  }
0x80: {  	v1 =	vperm.xlane v1, v0;
	_ =	sdelay $0x5  }
0x81: {  	[hbm4b:s4+s5] =	stream.indirect_vreg.scatter [tilespmem:s13], [sflag:$0x4], $0x4000, v1, vm0, $0x38;
	[tilespmem:$0x19400] =	vst v63  }
0x82: {  	_ =	swait.ge [sflag:s17], $0x8000  }
0x83: {  	[sflag:s17] =	ssyncset.done $0x0  }
0x84: {  	[sflag:s17] =	ssyncadd.s32 $0xFFFF8000  }
0x85: {  	v1 =	vld.msk [tilespmem:$0x480], $0x3;
	_ =	sdelay $0x4  }
0x86: {  	v1 =	vshll.u32 v1, $0xE  }
0x87: {  	v1 =	vperm.xlane v1, v0;
	_ =	sdelay $0x5  }
0x88: {  	[tilespmem:s13], [sflag:$0x1] =	stream.indirect_vreg.gather [hbm4b:s2+s5], $0x4000, v1, vm0, $0x38;
	[tilespmem:$0x19400] =	vst v63  }
0x89: {  	_ =	swait.ge [sflag:s18], $0x8000  }
0x8a: {  	[sflag:s18] =	ssyncset.done $0x0  }
0x8b: {  	[sflag:s18] =	ssyncadd.s32 $0xFFFF8000  }
0x8c: {  	v1 =	vld.msk [tilespmem:$0x380], $0x3;
	_ =	sdelay $0x4  }
0x8d: {  	v1 =	vshll.u32 v1, $0xE  }
0x8e: {  	v1 =	vperm.xlane v1, v0;
	_ =	sdelay $0x5  }
0x8f: {  	[hbm4b:s4+s5] =	stream.indirect_vreg.scatter [tilespmem:s14], [sflag:$0x5], $0x4000, v1, vm0, $0x38;
	[tilespmem:$0x19400] =	vst v63  }
0x90: {  	_ =	swait.ge [sflag:s19], $0x8000  }
0x91: {  	[sflag:s19] =	ssyncset.done $0x0  }
0x92: {  	[sflag:s19] =	ssyncadd.s32 $0xFFFF8000  }
0x93: {  	v1 =	vld.msk [tilespmem:$0x500], $0x3;
	_ =	sdelay $0x4  }
0x94: {  	v1 =	vshll.u32 v1, $0xE  }
0x95: {  	v1 =	vperm.xlane v1, v0;
	_ =	sdelay $0x5  }
0x96: {  	[tilespmem:s14], [sflag:$0x2] =	stream.indirect_vreg.gather [hbm4b:s2+s5], $0x4000, v1, vm0, $0x38;
	[tilespmem:$0x19400] =	vst v63  }
0x97: {  	_ =	swait.ge [sflag:s20], $0x8000  }
0x98: {  	[sflag:s20] =	ssyncset.done $0x0  }
0x99: {  	[sflag:s20] =	ssyncadd.s32 $0xFFFF8000  }
0x9a: {  	v1 =	vld.msk [tilespmem:$0x400], $0x3;
	_ =	sdelay $0x4  }
0x9b: {  	v1 =	vshll.u32 v1, $0xE  }
0x9c: {  	v1 =	vperm.xlane v1, v0;
	_ =	sdelay $0x5  }
0x9d: {  	[hbm4b:s4+s5] =	stream.indirect_vreg.scatter [tilespmem:s15], [sflag:$0x6], $0x4000, v1, vm0, $0x38;
	[tilespmem:$0x19400] =	vst v63  }
0x9e: {  	_ =	swait.ge [sflag:s21], $0x8000  }
0x9f: {  	[sflag:s21] =	ssyncset.done $0x0  }
0xa0: {  	[sflag:s21] =	ssyncadd.s32 $0xFFFF8000  }
0xa1: {  	v1 =	vld.msk [tilespmem:$0x580], $0x3;
	_ =	sdelay $0x4  }
0xa2: {  	v1 =	vshll.u32 v1, $0xE  }
0xa3: {  	v1 =	vperm.xlane v1, v0;
	_ =	sdelay $0x5  }
0xa4: {  	[tilespmem:s15], [sflag:$0x3] =	stream.indirect_vreg.gather [hbm4b:s2+s5], $0x4000, v1, vm0, $0x38;
	[tilespmem:$0x19400] =	vst v63  }
0xa5: {  	_ =	swait.ge [sflag:s16], $0x8000  }
0xa6: {  	[sflag:s16] =	ssyncset.done $0x0  }
0xa7: {  	[sflag:s16] =	ssyncadd.s32 $0xFFFF8000  }
0xa8: {  	v1 =	vld.msk [tilespmem:$0x480], $0x3;
	_ =	sdelay $0x4  }
0xa9: {  	v1 =	vshll.u32 v1, $0xE  }
0xaa: {  	v1 =	vperm.xlane v1, v0;
	_ =	sdelay $0x5  }
0xab: {  	[hbm4b:s4+s5] =	stream.indirect_vreg.scatter [tilespmem:s13], [sflag:$0x4], $0x4000, v1, vm0, $0x38;
	[tilespmem:$0x19400] =	vst v63  }
0xac: {  	_ =	swait.ge [sflag:s17], $0x8000  }
0xad: {  	[sflag:s17] =	ssyncset.done $0x0  }
0xae: {  	[sflag:s17] =	ssyncadd.s32 $0xFFFF8000  }
0xaf: {  	v1 =	vld.msk [tilespmem:$0x600], $0x3;
	_ =	sdelay $0x4  }
0xb0: {  	v1 =	vshll.u32 v1, $0xE  }
0xb1: {  	v1 =	vperm.xlane v1, v0;
	_ =	sdelay $0x5  }
0xb2: {  	[tilespmem:s13], [sflag:$0x1] =	stream.indirect_vreg.gather [hbm4b:s2+s5], $0x4000, v1, vm0, $0x38;
	[tilespmem:$0x19400] =	vst v63  }
0xb3: {  	_ =	swait.ge [sflag:s18], $0x8000  }
0xb4: {  	[sflag:s18] =	ssyncset.done $0x0  }
0xb5: {  	[sflag:s18] =	ssyncadd.s32 $0xFFFF8000  }
0xb6: {  	v1 =	vld.msk [tilespmem:$0x500], $0x3;
	_ =	sdelay $0x4  }
0xb7: {  	v1 =	vshll.u32 v1, $0xE  }
0xb8: {  	v1 =	vperm.xlane v1, v0;
	_ =	sdelay $0x5  }
0xb9: {  	[hbm4b:s4+s5] =	stream.indirect_vreg.scatter [tilespmem:s14], [sflag:$0x5], $0x4000, v1, vm0, $0x38;
	[tilespmem:$0x19400] =	vst v63  }
0xba: {  	_ =	swait.ge [sflag:s19], $0x8000  }
0xbb: {  	[sflag:s19] =	ssyncset.done $0x0  }
0xbc: {  	[sflag:s19] =	ssyncadd.s32 $0xFFFF8000  }
0xbd: {  	v1 =	vld.msk [tilespmem:$0x680], $0x3;
	_ =	sdelay $0x4  }
0xbe: {  	v1 =	vshll.u32 v1, $0xE  }
0xbf: {  	v1 =	vperm.xlane v1, v0;
	_ =	sdelay $0x5  }
0xc0: {  	[tilespmem:s14], [sflag:$0x2] =	stream.indirect_vreg.gather [hbm4b:s2+s5], $0x4000, v1, vm0, $0x38;
	[tilespmem:$0x19400] =	vst v63  }
0xc1: {  	_ =	swait.ge [sflag:s20], $0x8000  }
0xc2: {  	[sflag:s20] =	ssyncset.done $0x0  }
0xc3: {  	[sflag:s20] =	ssyncadd.s32 $0xFFFF8000  }
0xc4: {  	v1 =	vld.msk [tilespmem:$0x580], $0x3;
	_ =	sdelay $0x4  }
0xc5: {  	v1 =	vshll.u32 v1, $0xE  }
0xc6: {  	v1 =	vperm.xlane v1, v0;
	_ =	sdelay $0x5  }
0xc7: {  	[hbm4b:s4+s5] =	stream.indirect_vreg.scatter [tilespmem:s15], [sflag:$0x6], $0x4000, v1, vm0, $0x38;
	[tilespmem:$0x19400] =	vst v63  }
0xc8: {  	_ =	swait.ge [sflag:s21], $0x8000  }
0xc9: {  	[sflag:s21] =	ssyncset.done $0x0  }
0xca: {  	[sflag:s21] =	ssyncadd.s32 $0xFFFF8000  }
0xcb: {  	v1 =	vld.msk [tilespmem:$0x700], $0x3;
	_ =	sdelay $0x4  }
0xcc: {  	v1 =	vshll.u32 v1, $0xE  }
0xcd: {  	v1 =	vperm.xlane v1, v0;
	_ =	sdelay $0x5  }
0xce: {  	[tilespmem:s15], [sflag:$0x3] =	stream.indirect_vreg.gather [hbm4b:s2+s5], $0x4000, v1, vm0, $0x38;
	[tilespmem:$0x19400] =	vst v63  }
0xcf: {  	_ =	swait.ge [sflag:s16], $0x8000  }
0xd0: {  	[sflag:s16] =	ssyncset.done $0x0  }
0xd1: {  	[sflag:s16] =	ssyncadd.s32 $0xFFFF8000  }
0xd2: {  	v1 =	vld.msk [tilespmem:$0x600], $0x3;
	_ =	sdelay $0x4  }
0xd3: {  	v1 =	vshll.u32 v1, $0xE  }
0xd4: {  	v1 =	vperm.xlane v1, v0;
	_ =	sdelay $0x5  }
0xd5: {  	[hbm4b:s4+s5] =	stream.indirect_vreg.scatter [tilespmem:s13], [sflag:$0x4], $0x4000, v1, vm0, $0x38;
	[tilespmem:$0x19400] =	vst v63  }
0xd6: {  	_ =	swait.ge [sflag:s17], $0x8000  }
0xd7: {  	[sflag:s17] =	ssyncset.done $0x0  }
0xd8: {  	[sflag:s17] =	ssyncadd.s32 $0xFFFF8000  }
0xd9: {  	v1 =	vld.msk [tilespmem:$0x780], $0x3;
	_ =	sdelay $0x4  }
0xda: {  	v1 =	vshll.u32 v1, $0xE  }
0xdb: {  	v1 =	vperm.xlane v1, v0;
	_ =	sdelay $0x5  }
0xdc: {  	[tilespmem:s13], [sflag:$0x1] =	stream.indirect_vreg.gather [hbm4b:s2+s5], $0x4000, v1, vm0, $0x38;
	[tilespmem:$0x19400] =	vst v63  }
0xdd: {  	_ =	swait.ge [sflag:s18], $0x8000  }
0xde: {  	[sflag:s18] =	ssyncset.done $0x0  }
0xdf: {  	[sflag:s18] =	ssyncadd.s32 $0xFFFF8000  }
0xe0: {  	v1 =	vld.msk [tilespmem:$0x680], $0x3;
	_ =	sdelay $0x4  }
0xe1: {  	v1 =	vshll.u32 v1, $0xE  }
0xe2: {  	v1 =	vperm.xlane v1, v0;
	_ =	sdelay $0x5  }
0xe3: {  	[hbm4b:s4+s5] =	stream.indirect_vreg.scatter [tilespmem:s14], [sflag:$0x5], $0x4000, v1, vm0, $0x38;
	[tilespmem:$0x19400] =	vst v63  }
0xe4: {  	_ =	swait.ge [sflag:s19], $0x8000  }
0xe5: {  	[sflag:s19] =	ssyncset.done $0x0  }
0xe6: {  	[sflag:s19] =	ssyncadd.s32 $0xFFFF8000  }
0xe7: {  	v1 =	vld.msk [tilespmem:$0x800], $0x3;
	_ =	sdelay $0x4  }
0xe8: {  	v1 =	vshll.u32 v1, $0xE  }
0xe9: {  	v1 =	vperm.xlane v1, v0;
	_ =	sdelay $0x5  }
0xea: {  	[tilespmem:s14], [sflag:$0x2] =	stream.indirect_vreg.gather [hbm4b:s2+s5], $0x4000, v1, vm0, $0x38;
	[tilespmem:$0x19400] =	vst v63  }
0xeb: {  	_ =	swait.ge [sflag:s20], $0x8000  }
0xec: {  	[sflag:s20] =	ssyncset.done $0x0  }
0xed: {  	[sflag:s20] =	ssyncadd.s32 $0xFFFF8000  }
0xee: {  	v1 =	vld.msk [tilespmem:$0x700], $0x3;
	_ =	sdelay $0x4  }
0xef: {  	v1 =	vshll.u32 v1, $0xE  }
0xf0: {  	v1 =	vperm.xlane v1, v0;
	_ =	sdelay $0x5  }
0xf1: {  	[hbm4b:s4+s5] =	stream.indirect_vreg.scatter [tilespmem:s15], [sflag:$0x6], $0x4000, v1, vm0, $0x38;
	[tilespmem:$0x19400] =	vst v63  }
0xf2: {  	_ =	swait.ge [sflag:s21], $0x8000  }
0xf3: {  	[sflag:s21] =	ssyncset.done $0x0  }
0xf4: {  	[sflag:s21] =	ssyncadd.s32 $0xFFFF8000  }
0xf5: {  	v1 =	vld.msk [tilespmem:$0x880], $0x3;
	_ =	sdelay $0x4  }
0xf6: {  	v1 =	vshll.u32 v1, $0xE  }
0xf7: {  	v1 =	vperm.xlane v1, v0;
	_ =	sdelay $0x5  }
0xf8: {  	[tilespmem:s15], [sflag:$0x3] =	stream.indirect_vreg.gather [hbm4b:s2+s5], $0x4000, v1, vm0, $0x38;
	[tilespmem:$0x19400] =	vst v63  }
0xf9: {  	_ =	swait.ge [sflag:s16], $0x8000  }
0xfa: {  	[sflag:s16] =	ssyncset.done $0x0  }
0xfb: {  	[sflag:s16] =	ssyncadd.s32 $0xFFFF8000  }
0xfc: {  	v1 =	vld.msk [tilespmem:$0x780], $0x3;
	_ =	sdelay $0x4  }
0xfd: {  	v1 =	vshll.u32 v1, $0xE  }
0xfe: {  	v1 =	vperm.xlane v1, v0;
	_ =	sdelay $0x5  }
0xff: {  	[hbm4b:s4+s5] =	stream.indirect_vreg.scatter [tilespmem:s13], [sflag:$0x4], $0x4000, v1, vm0, $0x38;
	[tilespmem:$0x19400] =	vst v63  }
0x100: {  	_ =	swait.ge [sflag:s17], $0x8000  }
0x101: {  	[sflag:s17] =	ssyncset.done $0x0  }
0x102: {  	[sflag:s17] =	ssyncadd.s32 $0xFFFF8000  }
0x103: {  	v1 =	vld.msk [tilespmem:$0x900], $0x3;
	_ =	sdelay $0x4  }
0x104: {  	v1 =	vshll.u32 v1, $0xE  }
0x105: {  	v1 =	vperm.xlane v1, v0;
	_ =	sdelay $0x5  }
0x106: {  	[tilespmem:s13], [sflag:$0x1] =	stream.indirect_vreg.gather [hbm4b:s2+s5], $0x4000, v1, vm0, $0x38;
	[tilespmem:$0x19400] =	vst v63  }
0x107: {  	_ =	swait.ge [sflag:s18], $0x8000  }
0x108: {  	[sflag:s18] =	ssyncset.done $0x0  }
0x109: {  	[sflag:s18] =	ssyncadd.s32 $0xFFFF8000  }
0x10a: {  	v1 =	vld.msk [tilespmem:$0x800], $0x3;
	_ =	sdelay $0x4  }
0x10b: {  	v1 =	vshll.u32 v1, $0xE  }
0x10c: {  	v1 =	vperm.xlane v1, v0;
	_ =	sdelay $0x5  }
0x10d: {  	[hbm4b:s4+s5] =	stream.indirect_vreg.scatter [tilespmem:s14], [sflag:$0x5], $0x4000, v1, vm0, $0x38;
	[tilespmem:$0x19400] =	vst v63  }
0x10e: {  	_ =	swait.ge [sflag:s19], $0x8000  }
0x10f: {  	[sflag:s19] =	ssyncset.done $0x0  }
0x110: {  	[sflag:s19] =	ssyncadd.s32 $0xFFFF8000  }
0x111: {  	v1 =	vld.msk [tilespmem:$0x980], $0x3;
	_ =	sdelay $0x4  }
0x112: {  	v1 =	vshll.u32 v1, $0xE  }
0x113: {  	v1 =	vperm.xlane v1, v0;
	_ =	sdelay $0x5  }
0x114: {  	[tilespmem:s14], [sflag:$0x2] =	stream.indirect_vreg.gather [hbm4b:s2+s5], $0x4000, v1, vm0, $0x38;
	[tilespmem:$0x19400] =	vst v63  }
0x115: {  	_ =	swait.ge [sflag:s20], $0x8000  }
0x116: {  	[sflag:s20] =	ssyncset.done $0x0  }
0x117: {  	[sflag:s20] =	ssyncadd.s32 $0xFFFF8000  }
0x118: {  	v1 =	vld.msk [tilespmem:$0x880], $0x3;
	_ =	sdelay $0x4  }
0x119: {  	v1 =	vshll.u32 v1, $0xE  }
0x11a: {  	v1 =	vperm.xlane v1, v0;
	_ =	sdelay $0x5  }
0x11b: {  	[hbm4b:s4+s5] =	stream.indirect_vreg.scatter [tilespmem:s15], [sflag:$0x6], $0x4000, v1, vm0, $0x38;
	[tilespmem:$0x19400] =	vst v63  }
0x11c: {  	_ =	swait.ge [sflag:s21], $0x8000  }
0x11d: {  	[sflag:s21] =	ssyncset.done $0x0  }
0x11e: {  	[sflag:s21] =	ssyncadd.s32 $0xFFFF8000  }
0x11f: {  	v1 =	vld.msk [tilespmem:$0xA00], $0x3;
	_ =	sdelay $0x4  }
0x120: {  	v1 =	vshll.u32 v1, $0xE  }
0x121: {  	v1 =	vperm.xlane v1, v0;
	_ =	sdelay $0x5  }
0x122: {  	[tilespmem:s15], [sflag:$0x3] =	stream.indirect_vreg.gather [hbm4b:s2+s5], $0x4000, v1, vm0, $0x38;
	[tilespmem:$0x19400] =	vst v63  }
0x123: {  	_ =	swait.ge [sflag:s16], $0x8000  }
0x124: {  	[sflag:s16] =	ssyncset.done $0x0  }
0x125: {  	[sflag:s16] =	ssyncadd.s32 $0xFFFF8000  }
0x126: {  	v1 =	vld.msk [tilespmem:$0x900], $0x3;
	_ =	sdelay $0x4  }
0x127: {  	v1 =	vshll.u32 v1, $0xE  }
0x128: {  	v1 =	vperm.xlane v1, v0;
	_ =	sdelay $0x5  }
0x129: {  	[hbm4b:s4+s5] =	stream.indirect_vreg.scatter [tilespmem:s13], [sflag:$0x4], $0x4000, v1, vm0, $0x38;
	[tilespmem:$0x19400] =	vst v63  }
0x12a: {  	_ =	swait.ge [sflag:s17], $0x8000  }
0x12b: {  	[sflag:s17] =	ssyncset.done $0x0  }
0x12c: {  	[sflag:s17] =	ssyncadd.s32 $0xFFFF8000  }
0x12d: {  	v1 =	vld.msk [tilespmem:$0xA80], $0x3;
	_ =	sdelay $0x4  }
0x12e: {  	v1 =	vshll.u32 v1, $0xE  }
0x12f: {  	v1 =	vperm.xlane v1, v0;
	_ =	sdelay $0x5  }
0x130: {  	[tilespmem:s13], [sflag:$0x1] =	stream.indirect_vreg.gather [hbm4b:s2+s5], $0x4000, v1, vm0, $0x38;
	[tilespmem:$0x19400] =	vst v63  }
0x131: {  	_ =	swait.ge [sflag:s18], $0x8000  }
0x132: {  	[sflag:s18] =	ssyncset.done $0x0  }
0x133: {  	[sflag:s18] =	ssyncadd.s32 $0xFFFF8000  }
0x134: {  	v1 =	vld.msk [tilespmem:$0x980], $0x3;
	_ =	sdelay $0x4  }
0x135: {  	v1 =	vshll.u32 v1, $0xE  }
0x136: {  	v1 =	vperm.xlane v1, v0;
	_ =	sdelay $0x5  }
0x137: {  	[hbm4b:s4+s5] =	stream.indirect_vreg.scatter [tilespmem:s14], [sflag:$0x5], $0x4000, v1, vm0, $0x38;
	[tilespmem:$0x19400] =	vst v63  }
0x138: {  	_ =	swait.ge [sflag:s19], $0x8000  }
0x139: {  	[sflag:s19] =	ssyncset.done $0x0  }
0x13a: {  	[sflag:s19] =	ssyncadd.s32 $0xFFFF8000  }
0x13b: {  	v1 =	vld.msk [tilespmem:$0xB00], $0x3;
	_ =	sdelay $0x4  }
0x13c: {  	v1 =	vshll.u32 v1, $0xE  }
0x13d: {  	v1 =	vperm.xlane v1, v0;
	_ =	sdelay $0x5  }
0x13e: {  	[tilespmem:s14], [sflag:$0x2] =	stream.indirect_vreg.gather [hbm4b:s2+s5], $0x4000, v1, vm0, $0x38;
	[tilespmem:$0x19400] =	vst v63  }
0x13f: {  	_ =	swait.ge [sflag:s20], $0x8000  }
0x140: {  	[sflag:s20] =	ssyncset.done $0x0  }
0x141: {  	[sflag:s20] =	ssyncadd.s32 $0xFFFF8000  }
0x142: {  	v1 =	vld.msk [tilespmem:$0xA00], $0x3;
	_ =	sdelay $0x4  }
0x143: {  	v1 =	vshll.u32 v1, $0xE  }
0x144: {  	v1 =	vperm.xlane v1, v0;
	_ =	sdelay $0x5  }
0x145: {  	[hbm4b:s4+s5] =	stream.indirect_vreg.scatter [tilespmem:s15], [sflag:$0x6], $0x4000, v1, vm0, $0x38;
	[tilespmem:$0x19400] =	vst v63  }
0x146: {  	_ =	swait.ge [sflag:s21], $0x8000  }
0x147: {  	[sflag:s21] =	ssyncset.done $0x0  }
0x148: {  	[sflag:s21] =	ssyncadd.s32 $0xFFFF8000  }
0x149: {  	v1 =	vld.msk [tilespmem:$0xB80], $0x3;
	_ =	sdelay $0x4  }
0x14a: {  	v1 =	vshll.u32 v1, $0xE  }
0x14b: {  	v1 =	vperm.xlane v1, v0;
	_ =	sdelay $0x5  }
0x14c: {  	[tilespmem:s15], [sflag:$0x3] =	stream.indirect_vreg.gather [hbm4b:s2+s5], $0x4000, v1, vm0, $0x38;
	[tilespmem:$0x19400] =	vst v63  }
0x14d: {  	_ =	swait.ge [sflag:s16], $0x8000  }
0x14e: {  	[sflag:s16] =	ssyncset.done $0x0  }
0x14f: {  	[sflag:s16] =	ssyncadd.s32 $0xFFFF8000  }
0x150: {  	v1 =	vld.msk [tilespmem:$0xA80], $0x3;
	_ =	sdelay $0x4  }
0x151: {  	v1 =	vshll.u32 v1, $0xE  }
0x152: {  	v1 =	vperm.xlane v1, v0;
	_ =	sdelay $0x5  }
0x153: {  	[hbm4b:s4+s5] =	stream.indirect_vreg.scatter [tilespmem:s13], [sflag:$0x4], $0x4000, v1, vm0, $0x38;
	[tilespmem:$0x19400] =	vst v63  }
0x154: {  	_ =	swait.ge [sflag:s17], $0x8000  }
0x155: {  	[sflag:s17] =	ssyncset.done $0x0  }
0x156: {  	[sflag:s17] =	ssyncadd.s32 $0xFFFF8000  }
0x157: {  	_ =	swait.ge [sflag:s18], $0x8000  }
0x158: {  	[sflag:s18] =	ssyncset.done $0x0  }
0x159: {  	[sflag:s18] =	ssyncadd.s32 $0xFFFF8000  }
0x15a: {  	v1 =	vld.msk [tilespmem:$0xB00], $0x3;
	_ =	sdelay $0x4  }
0x15b: {  	v1 =	vshll.u32 v1, $0xE  }
0x15c: {  	v1 =	vperm.xlane v1, v0;
	_ =	sdelay $0x5  }
0x15d: {  	[hbm4b:s4+s5] =	stream.indirect_vreg.scatter [tilespmem:s14], [sflag:$0x5], $0x4000, v1, vm0, $0x38;
	[tilespmem:$0x19400] =	vst v63  }
0x15e: {  	_ =	swait.ge [sflag:s19], $0x8000  }
0x15f: {  	[sflag:s19] =	ssyncset.done $0x0  }
0x160: {  	[sflag:s19] =	ssyncadd.s32 $0xFFFF8000  }
0x161: {  	_ =	swait.ge [sflag:s20], $0x8000  }
0x162: {  	[sflag:s20] =	ssyncset.done $0x0  }
0x163: {  	[sflag:s20] =	ssyncadd.s32 $0xFFFF8000  }
0x164: {  	v1 =	vld.msk [tilespmem:$0xB80], $0x3;
	_ =	sdelay $0x4  }
0x165: {  	v1 =	vshll.u32 v1, $0xE  }
0x166: {  	v1 =	vperm.xlane v1, v0;
	_ =	sdelay $0x5  }
0x167: {  	[hbm4b:s4+s5] =	stream.indirect_vreg.scatter [tilespmem:s15], [sflag:$0x6], $0x4000, v1, vm0, $0x38;
	[tilespmem:$0x19400] =	vst v63  }
0x168: {  	_ =	swait.ge [sflag:s21], $0x8000  }
0x169: {  	[sflag:s21] =	ssyncset.done $0x0  }
0x16a: {  	[sflag:s21] =	ssyncadd.s32 $0xFFFF8000  }
0x16b: {  	v1 =	vld.msk [tilespmem:$0xC00], $0x3;
	_ =	sdelay $0x4  }
0x16c: {  	v1 =	vshll.u32 v1, $0xE  }
0x16d: {  	v1 =	vperm.xlane v1, v0;
	_ =	sdelay $0x5  }
0x16e: {  	[tilespmem:s13], [sflag:$0x1] =	stream.indirect_vreg.gather [hbm4b:s1+s5], $0x4000, v1, vm0, $0x38;
	[tilespmem:$0x19400] =	vst v63  }
0x16f: {  	v1 =	vld.msk [tilespmem:$0xC80], $0x3;
	_ =	sdelay $0x4  }
0x170: {  	v1 =	vshll.u32 v1, $0xE  }
0x171: {  	v1 =	vperm.xlane v1, v0;
	_ =	sdelay $0x5  }
0x172: {  	[tilespmem:s14], [sflag:$0x2] =	stream.indirect_vreg.gather [hbm4b:s1+s5], $0x4000, v1, vm0, $0x38;
	[tilespmem:$0x19400] =	vst v63  }
0x173: {  	v1 =	vld.msk [tilespmem:$0xD00], $0x3;
	_ =	sdelay $0x4  }
0x174: {  	v1 =	vshll.u32 v1, $0xE  }
0x175: {  	v1 =	vperm.xlane v1, v0;
	_ =	sdelay $0x5  }
0x176: {  	[tilespmem:s15], [sflag:$0x3] =	stream.indirect_vreg.gather [hbm4b:s1+s5], $0x4000, v1, vm0, $0x38;
	[tilespmem:$0x19400] =	vst v63  }
0x177: {  	_ =	swait.ge [sflag:s16], $0x8000  }
0x178: {  	[sflag:s16] =	ssyncset.done $0x0  }
0x179: {  	[sflag:s16] =	ssyncadd.s32 $0xFFFF8000  }
0x17a: {  	v1 =	vld.msk [tilespmem:$0x1000], $0x3;
	_ =	sdelay $0x4  }
0x17b: {  	v1 =	vshll.u32 v1, $0xE  }
0x17c: {  	v1 =	vperm.xlane v1, v0;
	_ =	sdelay $0x5  }
0x17d: {  	[hbm4b:s4+s5] =	stream.indirect_vreg.scatter [tilespmem:s13], [sflag:$0x4], $0x4000, v1, vm0, $0x38;
	[tilespmem:$0x19400] =	vst v63  }
0x17e: {  	_ =	swait.ge [sflag:s17], $0x8000  }
0x17f: {  	[sflag:s17] =	ssyncset.done $0x0  }
0x180: {  	[sflag:s17] =	ssyncadd.s32 $0xFFFF8000  }
0x181: {  	v1 =	vld.msk [tilespmem:$0xD80], $0x3;
	_ =	sdelay $0x4  }
0x182: {  	v1 =	vshll.u32 v1, $0xE  }
0x183: {  	v1 =	vperm.xlane v1, v0;
	_ =	sdelay $0x5  }
0x184: {  	[tilespmem:s13], [sflag:$0x1] =	stream.indirect_vreg.gather [hbm4b:s1+s5], $0x4000, v1, vm0, $0x38;
	[tilespmem:$0x19400] =	vst v63  }
0x185: {  	_ =	swait.ge [sflag:s18], $0x8000  }
0x186: {  	[sflag:s18] =	ssyncset.done $0x0  }
0x187: {  	[sflag:s18] =	ssyncadd.s32 $0xFFFF8000  }
0x188: {  	v1 =	vld.msk [tilespmem:$0x1080], $0x3;
	_ =	sdelay $0x4  }
0x189: {  	v1 =	vshll.u32 v1, $0xE  }
0x18a: {  	v1 =	vperm.xlane v1, v0;
	_ =	sdelay $0x5  }
0x18b: {  	[hbm4b:s4+s5] =	stream.indirect_vreg.scatter [tilespmem:s14], [sflag:$0x5], $0x4000, v1, vm0, $0x38;
	[tilespmem:$0x19400] =	vst v63  }
0x18c: {  	_ =	swait.ge [sflag:s19], $0x8000  }
0x18d: {  	[sflag:s19] =	ssyncset.done $0x0  }
0x18e: {  	[sflag:s19] =	ssyncadd.s32 $0xFFFF8000  }
0x18f: {  	v1 =	vld.msk [tilespmem:$0xE00], $0x3;
	_ =	sdelay $0x4  }
0x190: {  	v1 =	vshll.u32 v1, $0xE  }
0x191: {  	v1 =	vperm.xlane v1, v0;
	_ =	sdelay $0x5  }
0x192: {  	[tilespmem:s14], [sflag:$0x2] =	stream.indirect_vreg.gather [hbm4b:s1+s5], $0x4000, v1, vm0, $0x38;
	[tilespmem:$0x19400] =	vst v63  }
0x193: {  	_ =	swait.ge [sflag:s20], $0x8000  }
0x194: {  	[sflag:s20] =	ssyncset.done $0x0  }
0x195: {  	[sflag:s20] =	ssyncadd.s32 $0xFFFF8000  }
0x196: {  	v1 =	vld.msk [tilespmem:$0x1100], $0x3;
	_ =	sdelay $0x4  }
0x197: {  	v1 =	vshll.u32 v1, $0xE  }
0x198: {  	v1 =	vperm.xlane v1, v0;
	_ =	sdelay $0x5  }
0x199: {  	[hbm4b:s4+s5] =	stream.indirect_vreg.scatter [tilespmem:s15], [sflag:$0x6], $0x4000, v1, vm0, $0x38;
	[tilespmem:$0x19400] =	vst v63  }
0x19a: {  	_ =	swait.ge [sflag:s21], $0x8000  }
0x19b: {  	[sflag:s21] =	ssyncset.done $0x0  }
0x19c: {  	[sflag:s21] =	ssyncadd.s32 $0xFFFF8000  }
0x19d: {  	v1 =	vld.msk [tilespmem:$0xE80], $0x3;
	_ =	sdelay $0x4  }
0x19e: {  	v1 =	vshll.u32 v1, $0xE  }
0x19f: {  	v1 =	vperm.xlane v1, v0;
	_ =	sdelay $0x5  }
0x1a0: {  	[tilespmem:s15], [sflag:$0x3] =	stream.indirect_vreg.gather [hbm4b:s1+s5], $0x4000, v1, vm0, $0x38;
	[tilespmem:$0x19400] =	vst v63  }
0x1a1: {  	_ =	swait.ge [sflag:s16], $0x8000  }
0x1a2: {  	[sflag:s16] =	ssyncset.done $0x0  }
0x1a3: {  	[sflag:s16] =	ssyncadd.s32 $0xFFFF8000  }
0x1a4: {  	v1 =	vld.msk [tilespmem:$0x1180], $0x3;
	_ =	sdelay $0x4  }
0x1a5: {  	v1 =	vshll.u32 v1, $0xE  }
0x1a6: {  	v1 =	vperm.xlane v1, v0;
	_ =	sdelay $0x5  }
0x1a7: {  	[hbm4b:s4+s5] =	stream.indirect_vreg.scatter [tilespmem:s13], [sflag:$0x4], $0x4000, v1, vm0, $0x38;
	[tilespmem:$0x19400] =	vst v63  }
0x1a8: {  	_ =	swait.ge [sflag:s17], $0x8000  }
0x1a9: {  	[sflag:s17] =	ssyncset.done $0x0  }
0x1aa: {  	[sflag:s17] =	ssyncadd.s32 $0xFFFF8000  }
0x1ab: {  	v1 =	vld.msk [tilespmem:$0xF00], $0x3;
	_ =	sdelay $0x4  }
0x1ac: {  	v1 =	vshll.u32 v1, $0xE  }
0x1ad: {  	v1 =	vperm.xlane v1, v0;
	_ =	sdelay $0x5  }
0x1ae: {  	[tilespmem:s13], [sflag:$0x1] =	stream.indirect_vreg.gather [hbm4b:s1+s5], $0x4000, v1, vm0, $0x38;
	[tilespmem:$0x19400] =	vst v63  }
0x1af: {  	_ =	swait.ge [sflag:s18], $0x8000  }
0x1b0: {  	[sflag:s18] =	ssyncset.done $0x0  }
0x1b1: {  	[sflag:s18] =	ssyncadd.s32 $0xFFFF8000  }
0x1b2: {  	v1 =	vld.msk [tilespmem:$0x1200], $0x3;
	_ =	sdelay $0x4  }
0x1b3: {  	v1 =	vshll.u32 v1, $0xE  }
0x1b4: {  	v1 =	vperm.xlane v1, v0;
	_ =	sdelay $0x5  }
0x1b5: {  	[hbm4b:s4+s5] =	stream.indirect_vreg.scatter [tilespmem:s14], [sflag:$0x5], $0x4000, v1, vm0, $0x38;
	[tilespmem:$0x19400] =	vst v63  }
0x1b6: {  	_ =	swait.ge [sflag:s19], $0x8000  }
0x1b7: {  	[sflag:s19] =	ssyncset.done $0x0  }
0x1b8: {  	[sflag:s19] =	ssyncadd.s32 $0xFFFF8000  }
0x1b9: {  	v1 =	vld.msk [tilespmem:$0xF80], $0x3;
	_ =	sdelay $0x4  }
0x1ba: {  	v1 =	vshll.u32 v1, $0xE  }
0x1bb: {  	v1 =	vperm.xlane v1, v0;
	_ =	sdelay $0x5  }
0x1bc: {  	[tilespmem:s14], [sflag:$0x2] =	stream.indirect_vreg.gather [hbm4b:s1+s5], $0x4000, v1, vm0, $0x38;
	[tilespmem:$0x19400] =	vst v63  }
0x1bd: {  	_ =	swait.ge [sflag:s20], $0x8000  }
0x1be: {  	[sflag:s20] =	ssyncset.done $0x0  }
0x1bf: {  	[sflag:s20] =	ssyncadd.s32 $0xFFFF8000  }
0x1c0: {  	v1 =	vld.msk [tilespmem:$0x1280], $0x3;
	_ =	sdelay $0x4  }
0x1c1: {  	v1 =	vshll.u32 v1, $0xE  }
0x1c2: {  	v1 =	vperm.xlane v1, v0;
	_ =	sdelay $0x5  }
0x1c3: {  	[hbm4b:s4+s5] =	stream.indirect_vreg.scatter [tilespmem:s15], [sflag:$0x6], $0x4000, v1, vm0, $0x38;
	[tilespmem:$0x19400] =	vst v63  }
0x1c4: {  	_ =	swait.ge [sflag:s21], $0x8000  }
0x1c5: {  	[sflag:s21] =	ssyncset.done $0x0  }
0x1c6: {  	[sflag:s21] =	ssyncadd.s32 $0xFFFF8000  }
0x1c7: {  	_ =	swait.ge [sflag:s16], $0x8000  }
0x1c8: {  	[sflag:s16] =	ssyncset.done $0x0  }
0x1c9: {  	[sflag:s16] =	ssyncadd.s32 $0xFFFF8000  }
0x1ca: {  	v1 =	vld.msk [tilespmem:$0x1300], $0x3;
	_ =	sdelay $0x4  }
0x1cb: {  	v1 =	vshll.u32 v1, $0xE  }
0x1cc: {  	v1 =	vperm.xlane v1, v0;
	_ =	sdelay $0x5  }
0x1cd: {  	[hbm4b:s4+s5] =	stream.indirect_vreg.scatter [tilespmem:s13], [sflag:$0x4], $0x4000, v1, vm0, $0x38;
	[tilespmem:$0x19400] =	vst v63  }
0x1ce: {  	_ =	swait.ge [sflag:s17], $0x8000  }
0x1cf: {  	[sflag:s17] =	ssyncset.done $0x0  }
0x1d0: {  	[sflag:s17] =	ssyncadd.s32 $0xFFFF8000  }
0x1d1: {  	_ =	swait.ge [sflag:s18], $0x8000  }
0x1d2: {  	[sflag:s18] =	ssyncset.done $0x0  }
0x1d3: {  	[sflag:s18] =	ssyncadd.s32 $0xFFFF8000  }
0x1d4: {  	v1 =	vld.msk [tilespmem:$0x1380], $0x3;
	_ =	sdelay $0x4  }
0x1d5: {  	v1 =	vshll.u32 v1, $0xE  }
0x1d6: {  	v1 =	vperm.xlane v1, v0;
	_ =	sdelay $0x3  }
0x1d7: {  	p0 =	sne.s32 s9, $0x1  }
.Ltmp0:
0x1d8: {  	_ = 	snop;
	(pc) =	sbr.rel @p0 .LBB2_1-.Ltmp0, $4  }
0x1d9: {  	[hbm4b:s4+s5] =	stream.indirect_vreg.scatter [tilespmem:s14], [sflag:$0x5], $0x4000, v1, vm0, $0x38;
	[tilespmem:$0x19400] =	vst v63  }
0x1da: {  	_ =	swait.ge [sflag:s19], $0x8000  }
0x1db: {  	[sflag:s19] =	ssyncset.done $0x0  }
0x1dc: {  	s9 =	sadd.s32 $0xFFFFFFFF, s9;
	[sflag:s19] =	ssyncadd.s32 $0xFFFF8000  }
0x1dd: {  	_ =	sfence.sel $0x180000  }
0x1de: {  	[bflag:$0x0] =	sbarrier.arrive $0xFFFF  }
0x1df: {  	p0 =	sne.s32 s0, $0x0;
	_ =	strace $0x90000047  }
0x1e0: {  	s0 =	sadd.s32 @!p0 $0x100000, s3;
	[bflag:$0x2] =	sbarrier.arrive $0xFFFF  }
0x1e1: {  	[sflag:s0] =	ssyncadd.tile.s32 @!p0 $0x1;
	_ =	shalt  }
.Lfunc_end2:
_tile_overlayer_lowered:
.L_overlay_start_2:
0x1e2: {  	(tag) =	ssettag $0x2  }
0x1e3: {  	s0 =	rddreg [dreg:$0x0];
	s2 =	stileid.u32  }
0x1e4: {  	s1 =	rddreg [dreg:$0x1];
	p0 =	sne.s32 s2, $0x0  }
0x1e5: {  	s3 =	rddreg [dreg:$0x2];
	[bflag:$0x3] =	sbarrier.arrive $0xFFFF;
	s2 =	simm.s32 @!p0 $0x1C07  }
0x1e6: {  	[timem:s3], [sflag:s2] =	dma.local @!p0 [hbm:s0], s1  }
0x1e7: {  	s0 =	simm.s32 @!p0 $0x7  }
0x1e8: {  	_ =	swait.ge @!p0 [sflag:s0], s1  }
0x1e9: {  	s1 =	ssub.s32 @!p0 $0x0, s1;
	[sflag:s0] =	ssyncset.done @!p0 $0x0  }
0x1ea: {  	[sflag:s0] =	ssyncadd.s32 @!p0 s1  }
0x1eb: {  	[bflag:$0x3] =	sbarrier.arrive $0xFFFF  }
0x1ec: {  	_ =	shalt  }

</sc_bundles>
